<compile_context>
chip_gen: v7x
topology: tpu7x:2x2x1
jax: 0.10.2.dev20260603
libtpu: 0.0.44.dev20260713+nightly
codegen_flags: <defaults>
</compile_context>

<pallas_src>
import functools

import jax
import jax.numpy as jnp
from jax import lax
from jax.experimental import pallas as pl
from jax.experimental.pallas import tpu as pltpu
from jax.experimental.pallas import tpu_sc as plsc

SEQ = 200
BATCH = 4096
DIM = 64
VOCAB = 1000000

NC = 2
NS = 16
NW = NC * NS
BPW = BATCH // NW
C1 = 128
C2 = SEQ - C1
LANES = 16
NJ = DIM // LANES


def _pool_body(xt_hbm, table_hbm, out_hbm, idx_v, rows0, rows1, out_v,
               sem0, sem1):
    wid = lax.axis_index("s") * NC + lax.axis_index("c")
    base = wid * BPW

    pltpu.sync_copy(xt_hbm.at[pl.ds(base, BPW)], idx_v)

    def fire(b, rows, sem):
        pltpu.async_copy(table_hbm.at[idx_v.at[b, pl.ds(0, C1)]],
                         rows.at[pl.ds(0, C1)], sem)
        pltpu.async_copy(table_hbm.at[idx_v.at[b, pl.ds(C1, C2)]],
                         rows.at[pl.ds(C1, C2)], sem)

    def drain(b, rows, sem):
        pltpu.make_async_copy(table_hbm.at[idx_v.at[b, pl.ds(0, C1)]],
                              rows.at[pl.ds(0, C1)], sem).wait()
        pltpu.make_async_copy(table_hbm.at[idx_v.at[b, pl.ds(C1, C2)]],
                              rows.at[pl.ds(C1, C2)], sem).wait()

    def reduce_rows(b, rows):
        def red(s, accs):
            return tuple(
                jnp.maximum(a, rows[s, pl.ds(j * LANES, LANES)])
                for j, a in enumerate(accs))
        init = tuple(
            jnp.full((LANES,), -jnp.inf, jnp.float32) for _ in range(NJ))
        accs = lax.fori_loop(0, SEQ, red, init, unroll=8)
        for j in range(NJ):
            out_v[b, pl.ds(j * LANES, LANES)] = accs[j]

    fire(0, rows0, sem0)
    fire(1, rows1, sem1)

    def step(i, carry):
        for ph, (rows, sem) in enumerate(((rows0, sem0), (rows1, sem1))):
            b = 2 * i + ph
            drain(b, rows, sem)
            reduce_rows(b, rows)
            nb = b + 2

            @pl.when(nb < BPW)
            def _():
                fire(nb, rows, sem)
        return carry

    lax.fori_loop(0, BPW // 2, step, 0)

    pltpu.sync_copy(out_v, out_hbm.at[pl.ds(base, BPW)])


def kernel(x, table):
    mesh = plsc.VectorSubcoreMesh(
        core_axis_name="c", subcore_axis_name="s",
        num_cores=NC, num_subcores=NS)

    pool = functools.partial(
        pl.kernel,
        out_type=jax.ShapeDtypeStruct((BATCH, DIM), jnp.float32),
        mesh=mesh,
        compiler_params=pltpu.CompilerParams(
            use_tc_tiling_on_sc=False, needs_layout_passes=False),
        scratch_types=[
            pltpu.VMEM((BPW, SEQ), jnp.int32),
            pltpu.VMEM((SEQ, DIM), jnp.float32),
            pltpu.VMEM((SEQ, DIM), jnp.float32),
            pltpu.VMEM((BPW, DIM), jnp.float32),
            pltpu.SemaphoreType.DMA,
            pltpu.SemaphoreType.DMA,
        ],
    )(_pool_body)

    return pool(x.T, table)

# --- scband reference (transcript-rebuilt; emitter-appended) ---
"""Pipeline reference for scband-pool-encoder-83150566851393 (READ-ONLY COPY).

The authoritative reference and input builder live on the scoring server;
editing this copy changes nothing except your own understanding.
"""

import jax, jax.numpy as jnp
import numpy as np

VOCAB = 1000000
EMB_DIM = 64
SEQ_LEN = 200
BATCH = 4096

def setup_inputs(seed: int = 0) -> dict:
    key = jax.random.key(seed)
    k_x, k_tab = jax.random.split(key)
    x = jax.random.randint(k_x, (SEQ_LEN, BATCH), 0, VOCAB, dtype=jnp.int64 if jax.config.jax_enable_x64 else jnp.int32).astype(jnp.int32)
    table = jax.random.normal(k_tab, (VOCAB, EMB_DIM), dtype=jnp.float32)
    return {"x": x, "table": table}

def reference(x, table):
    # emb = embedding(x): gather rows -> [seq_len, batch, D]
    emb = jnp.take(table, x, axis=0)
    # pool(emb, batch, is_max=True): permute(1,2,0) -> [B, D, S], adaptive_max_pool1d to 1,
    # then view(B, -1) == max over sequence dim -> [B, D]
    max_pool = jnp.max(emb, axis=0)
    return max_pool

if __name__ == "__main__":
    import jax
    _d = setup_inputs()
    print(jax.jit(kernel)(*tuple(_d.values())))

</pallas_src>

<mosaic_0001>
#map = affine_map<(d0, d1) -> (0, 0)>
module attributes {stable_mosaic.version = 14 : i64} {
  func.func @_pool_body(%arg0: i32, %arg1: i32, %arg2: memref<4096x200xi32, #tpu.memory_space<hbm>>, %arg3: memref<1000000x64xf32, #tpu.memory_space<hbm>>, %arg4: memref<4096x64xf32, #tpu.memory_space<hbm>>, %arg5: memref<128x200xi32, #tpu.memory_space<vmem>>, %arg6: memref<200x64xf32, #tpu.memory_space<vmem>>, %arg7: memref<200x64xf32, #tpu.memory_space<vmem>>, %arg8: memref<128x64xf32, #tpu.memory_space<vmem>>, %arg9: memref<!tpu.dma_semaphore, #tpu.memory_space<semaphore_mem>>, %arg10: memref<!tpu.dma_semaphore, #tpu.memory_space<semaphore_mem>>) attributes {dimension_semantics = [#tpu.dimension_semantics<core_parallel>, #tpu.dimension_semantics<subcore_parallel>], iteration_bounds = array<i64: 2, 16>, scalar_prefetch = 0 : i64, scratch_operands = 6 : i64, tpu.core_type = #tpu.core_type<sc_vector_subcore>, window_params = [{transform_indices = #map}, {transform_indices = #map}, {transform_indices = #map}]} {
    %mul3A = arith.constant 2 : i32
    %mul3A_0 = arith.muli %arg1, %mul3A : i32
    %add3A = arith.addi %mul3A_0, %arg0 : i32
    %mul3A_1 = arith.constant 128 : i32
    %mul3A_2 = arith.muli %add3A, %mul3A_1 : i32
    "tpu.region"() ({
      %run_scoped3A = tpu.sem_alloc : memref<!tpu.dma_semaphore, #tpu.memory_space<semaphore_mem>>
      %dma_start3A_47 = arith.constant 0 : i32
      %dma_start3A_48 = tpu.memref_slice %arg2[%mul3A_2, %dma_start3A_47] : memref<4096x200xi32, #tpu.memory_space<hbm>> -> memref<128x200xi32, #tpu.memory_space<hbm>>
      %dma_start3A_49 = arith.constant 0 : i32
      %dma_start3A_50 = tpu.memref_slice %arg2[%mul3A_2, %dma_start3A_49] : memref<4096x200xi32, #tpu.memory_space<hbm>> -> memref<128x200xi32, #tpu.memory_space<hbm>>
      tpu.enqueue_dma source(%dma_start3A_50 : memref<128x200xi32, #tpu.memory_space<hbm>>) target(%arg5 : memref<128x200xi32, #tpu.memory_space<vmem>>) target_semaphore(%run_scoped3A : memref<!tpu.dma_semaphore, #tpu.memory_space<semaphore_mem>>)
      %dma_wait3A = arith.constant 0 : i32
      %dma_wait3A_51 = tpu.memref_slice %arg2[%mul3A_2, %dma_wait3A] : memref<4096x200xi32, #tpu.memory_space<hbm>> -> memref<128x200xi32, #tpu.memory_space<hbm>>
      %dma_wait3A_52 = arith.constant 0 : i32
      %dma_wait3A_53 = tpu.memref_slice %arg2[%mul3A_2, %dma_wait3A_52] : memref<4096x200xi32, #tpu.memory_space<hbm>> -> memref<128x200xi32, #tpu.memory_space<hbm>>
      tpu.wait_dma2 semaphore(%run_scoped3A : memref<!tpu.dma_semaphore, #tpu.memory_space<semaphore_mem>>) src(%dma_wait3A_53 : memref<128x200xi32, #tpu.memory_space<hbm>>) dst(%arg5 : memref<128x200xi32, #tpu.memory_space<vmem>>)
      tpu.yield
    }) : () -> ()
    %dma_start3A = arith.constant 0 : i32
    %dma_start3A_3 = arith.constant 0 : i32
    %dma_start3A_4 = arith.constant 0 : i32
    %dma_start3A_5 = tpu.memref_slice %arg6[%dma_start3A_3, %dma_start3A_4] : memref<200x64xf32, #tpu.memory_space<vmem>> -> memref<128x64xf32, #tpu.memory_space<vmem>>
    %dma_start3A_6 = arith.constant 0 : i32
    %dma_start3A_7 = tpu.memref_slice %arg5[%dma_start3A, %dma_start3A_6] : memref<128x200xi32, #tpu.memory_space<vmem>> -> memref<1x128xi32, #tpu.memory_space<vmem>>
    %dma_start3A_8 = tpu.memref_squeeze %dma_start3A_7 : memref<1x128xi32, #tpu.memory_space<vmem>> -> memref<128xi32, #tpu.memory_space<vmem>>
    %dma_start3A_9 = arith.constant 0 : i32
    %dma_start3A_10 = arith.constant 0 : i32
    %dma_start3A_11 = tpu.memref_slice %arg3[%dma_start3A_9, %dma_start3A_10] : memref<1000000x64xf32, #tpu.memory_space<hbm>> -> memref<1000000x64xf32, #tpu.memory_space<hbm>>
    tpu.enqueue_indirect_dma source(%dma_start3A_11 : memref<1000000x64xf32, #tpu.memory_space<hbm>>) target(%dma_start3A_5 : memref<128x64xf32, #tpu.memory_space<vmem>>) offsets(%dma_start3A_8 : memref<128xi32, #tpu.memory_space<vmem>>) semaphore(%arg9 : memref<!tpu.dma_semaphore, #tpu.memory_space<semaphore_mem>>)
    %dma_start3A_12 = arith.constant 0 : i32
    %dma_start3A_13 = arith.constant 128 : i32
    %dma_start3A_14 = arith.constant 0 : i32
    %dma_start3A_15 = tpu.memref_slice %arg6[%dma_start3A_13, %dma_start3A_14] : memref<200x64xf32, #tpu.memory_space<vmem>> -> memref<72x64xf32, #tpu.memory_space<vmem>>
    %dma_start3A_16 = arith.constant 128 : i32
    %dma_start3A_17 = tpu.memref_slice %arg5[%dma_start3A_12, %dma_start3A_16] : memref<128x200xi32, #tpu.memory_space<vmem>> -> memref<1x72xi32, #tpu.memory_space<vmem>>
    %dma_start3A_18 = tpu.memref_squeeze %dma_start3A_17 : memref<1x72xi32, #tpu.memory_space<vmem>> -> memref<72xi32, #tpu.memory_space<vmem>>
    %dma_start3A_19 = arith.constant 0 : i32
    %dma_start3A_20 = arith.constant 0 : i32
    %dma_start3A_21 = tpu.memref_slice %arg3[%dma_start3A_19, %dma_start3A_20] : memref<1000000x64xf32, #tpu.memory_space<hbm>> -> memref<1000000x64xf32, #tpu.memory_space<hbm>>
    tpu.enqueue_indirect_dma source(%dma_start3A_21 : memref<1000000x64xf32, #tpu.memory_space<hbm>>) target(%dma_start3A_15 : memref<72x64xf32, #tpu.memory_space<vmem>>) offsets(%dma_start3A_18 : memref<72xi32, #tpu.memory_space<vmem>>) semaphore(%arg9 : memref<!tpu.dma_semaphore, #tpu.memory_space<semaphore_mem>>)
    %dma_start3A_22 = arith.constant 1 : i32
    %dma_start3A_23 = arith.constant 0 : i32
    %dma_start3A_24 = arith.constant 0 : i32
    %dma_start3A_25 = tpu.memref_slice %arg7[%dma_start3A_23, %dma_start3A_24] : memref<200x64xf32, #tpu.memory_space<vmem>> -> memref<128x64xf32, #tpu.memory_space<vmem>>
    %dma_start3A_26 = arith.constant 0 : i32
    %dma_start3A_27 = tpu.memref_slice %arg5[%dma_start3A_22, %dma_start3A_26] : memref<128x200xi32, #tpu.memory_space<vmem>> -> memref<1x128xi32, #tpu.memory_space<vmem>>
    %dma_start3A_28 = tpu.memref_squeeze %dma_start3A_27 : memref<1x128xi32, #tpu.memory_space<vmem>> -> memref<128xi32, #tpu.memory_space<vmem>>
    %dma_start3A_29 = arith.constant 0 : i32
    %dma_start3A_30 = arith.constant 0 : i32
    %dma_start3A_31 = tpu.memref_slice %arg3[%dma_start3A_29, %dma_start3A_30] : memref<1000000x64xf32, #tpu.memory_space<hbm>> -> memref<1000000x64xf32, #tpu.memory_space<hbm>>
    tpu.enqueue_indirect_dma source(%dma_start3A_31 : memref<1000000x64xf32, #tpu.memory_space<hbm>>) target(%dma_start3A_25 : memref<128x64xf32, #tpu.memory_space<vmem>>) offsets(%dma_start3A_28 : memref<128xi32, #tpu.memory_space<vmem>>) semaphore(%arg10 : memref<!tpu.dma_semaphore, #tpu.memory_space<semaphore_mem>>)
    %dma_start3A_32 = arith.constant 1 : i32
    %dma_start3A_33 = arith.constant 128 : i32
    %dma_start3A_34 = arith.constant 0 : i32
    %dma_start3A_35 = tpu.memref_slice %arg7[%dma_start3A_33, %dma_start3A_34] : memref<200x64xf32, #tpu.memory_space<vmem>> -> memref<72x64xf32, #tpu.memory_space<vmem>>
    %dma_start3A_36 = arith.constant 128 : i32
    %dma_start3A_37 = tpu.memref_slice %arg5[%dma_start3A_32, %dma_start3A_36] : memref<128x200xi32, #tpu.memory_space<vmem>> -> memref<1x72xi32, #tpu.memory_space<vmem>>
    %dma_start3A_38 = tpu.memref_squeeze %dma_start3A_37 : memref<1x72xi32, #tpu.memory_space<vmem>> -> memref<72xi32, #tpu.memory_space<vmem>>
    %dma_start3A_39 = arith.constant 0 : i32
    %dma_start3A_40 = arith.constant 0 : i32
    %dma_start3A_41 = tpu.memref_slice %arg3[%dma_start3A_39, %dma_start3A_40] : memref<1000000x64xf32, #tpu.memory_space<hbm>> -> memref<1000000x64xf32, #tpu.memory_space<hbm>>
    tpu.enqueue_indirect_dma source(%dma_start3A_41 : memref<1000000x64xf32, #tpu.memory_space<hbm>>) target(%dma_start3A_35 : memref<72x64xf32, #tpu.memory_space<vmem>>) offsets(%dma_start3A_38 : memref<72xi32, #tpu.memory_space<vmem>>) semaphore(%arg10 : memref<!tpu.dma_semaphore, #tpu.memory_space<semaphore_mem>>)
    %scan3A = arith.constant 0 : i32
    %scan3A_42 = arith.constant 0 : i32
    %scan3A_43 = arith.constant 64 : i32
    %scan3A_44 = arith.addi %scan3A_42, %scan3A_43 : i32
    %scan3A_45 = arith.constant 1 : i32
    scf.for %scan3A_47 = %scan3A_42 to %scan3A_44 step %scan3A_45  : i32 {
      %mul3A_48 = arith.constant 2 : i32
      %mul3A_49 = arith.muli %mul3A_48, %scan3A_47 : i32
      %add3A_50 = arith.constant 0 : i32
      %add3A_51 = arith.addi %mul3A_49, %add3A_50 : i32
      %dma_wait3A = arith.constant 0 : i32
      %dma_wait3A_52 = arith.constant 0 : i32
      %dma_wait3A_53 = tpu.memref_slice %arg6[%dma_wait3A, %dma_wait3A_52] : memref<200x64xf32, #tpu.memory_space<vmem>> -> memref<128x64xf32, #tpu.memory_space<vmem>>
      %dma_wait3A_54 = arith.constant 0 : i32
      %dma_wait3A_55 = tpu.memref_slice %arg5[%add3A_51, %dma_wait3A_54] : memref<128x200xi32, #tpu.memory_space<vmem>> -> memref<1x128xi32, #tpu.memory_space<vmem>>
      %dma_wait3A_56 = tpu.memref_squeeze %dma_wait3A_55 : memref<1x128xi32, #tpu.memory_space<vmem>> -> memref<128xi32, #tpu.memory_space<vmem>>
      %dma_wait3A_57 = arith.constant 0 : i32
      %dma_wait3A_58 = arith.constant 0 : i32
      %dma_wait3A_59 = tpu.memref_slice %arg3[%dma_wait3A_57, %dma_wait3A_58] : memref<1000000x64xf32, #tpu.memory_space<hbm>> -> memref<1000000x64xf32, #tpu.memory_space<hbm>>
      tpu.wait_indirect_dma semaphore(%arg9 : memref<!tpu.dma_semaphore, #tpu.memory_space<semaphore_mem>>) src(%dma_wait3A_59 : memref<1000000x64xf32, #tpu.memory_space<hbm>>) dst(%dma_wait3A_53 : memref<128x64xf32, #tpu.memory_space<vmem>>)
      %dma_wait3A_60 = arith.constant 128 : i32
      %dma_wait3A_61 = arith.constant 0 : i32
      %dma_wait3A_62 = tpu.memref_slice %arg6[%dma_wait3A_60, %dma_wait3A_61] : memref<200x64xf32, #tpu.memory_space<vmem>> -> memref<72x64xf32, #tpu.memory_space<vmem>>
      %dma_wait3A_63 = arith.constant 128 : i32
      %dma_wait3A_64 = tpu.memref_slice %arg5[%add3A_51, %dma_wait3A_63] : memref<128x200xi32, #tpu.memory_space<vmem>> -> memref<1x72xi32, #tpu.memory_space<vmem>>
      %dma_wait3A_65 = tpu.memref_squeeze %dma_wait3A_64 : memref<1x72xi32, #tpu.memory_space<vmem>> -> memref<72xi32, #tpu.memory_space<vmem>>
      %dma_wait3A_66 = arith.constant 0 : i32
      %dma_wait3A_67 = arith.constant 0 : i32
      %dma_wait3A_68 = tpu.memref_slice %arg3[%dma_wait3A_66, %dma_wait3A_67] : memref<1000000x64xf32, #tpu.memory_space<hbm>> -> memref<1000000x64xf32, #tpu.memory_space<hbm>>
      tpu.wait_indirect_dma semaphore(%arg9 : memref<!tpu.dma_semaphore, #tpu.memory_space<semaphore_mem>>) src(%dma_wait3A_68 : memref<1000000x64xf32, #tpu.memory_space<hbm>>) dst(%dma_wait3A_62 : memref<72x64xf32, #tpu.memory_space<vmem>>)
      %broadcast_in_dim3A = arith.constant 0xFF800000 : f32
      %broadcast_in_dim3A_69 = vector.broadcast %broadcast_in_dim3A : f32 to vector<16xf32>
      %broadcast_in_dim3A_70 = arith.constant 0xFF800000 : f32
      %broadcast_in_dim3A_71 = vector.broadcast %broadcast_in_dim3A_70 : f32 to vector<16xf32>
      %broadcast_in_dim3A_72 = arith.constant 0xFF800000 : f32
      %broadcast_in_dim3A_73 = vector.broadcast %broadcast_in_dim3A_72 : f32 to vector<16xf32>
      %broadcast_in_dim3A_74 = arith.constant 0xFF800000 : f32
      %broadcast_in_dim3A_75 = vector.broadcast %broadcast_in_dim3A_74 : f32 to vector<16xf32>
      %scan3A_76 = arith.constant 0 : i32
      %scan3A_77 = arith.constant 200 : i32
      %scan3A_78 = arith.addi %scan3A_76, %scan3A_77 : i32
      %scan3A_79 = arith.constant 8 : i32
      %scan3A_80:4 = scf.for %scan3A_152 = %scan3A_76 to %scan3A_78 step %scan3A_79 iter_args(%scan3A_153 = %broadcast_in_dim3A_69, %scan3A_154 = %broadcast_in_dim3A_71, %scan3A_155 = %broadcast_in_dim3A_73, %scan3A_156 = %broadcast_in_dim3A_75) -> (vector<16xf32>, vector<16xf32>, vector<16xf32>, vector<16xf32>)  : i32 {
        %get3A = arith.index_cast %scan3A_152 : i32 to index
        %get3A_157 = arith.constant 0 : index
        %get3A_158 = tpu.vector_load %arg6[%get3A, %get3A_157] {strides = array<i32>} : memref<200x64xf32, #tpu.memory_space<vmem>>, vector<16xf32>,
        %max3A = arith.maximumf %scan3A_153, %get3A_158 : vector<16xf32>
        %get3A_159 = arith.index_cast %scan3A_152 : i32 to index
        %get3A_160 = arith.constant 16 : index
        %get3A_161 = tpu.vector_load %arg6[%get3A_159, %get3A_160] {strides = array<i32>} : memref<200x64xf32, #tpu.memory_space<vmem>>, vector<16xf32>,
        %max3A_162 = arith.maximumf %scan3A_154, %get3A_161 : vector<16xf32>
        %get3A_163 = arith.index_cast %scan3A_152 : i32 to index
        %get3A_164 = arith.constant 32 : index
        %get3A_165 = tpu.vector_load %arg6[%get3A_163, %get3A_164] {strides = array<i32>} : memref<200x64xf32, #tpu.memory_space<vmem>>, vector<16xf32>,
        %max3A_166 = arith.maximumf %scan3A_155, %get3A_165 : vector<16xf32>
        %get3A_167 = arith.index_cast %scan3A_152 : i32 to index
        %get3A_168 = arith.constant 48 : index
        %get3A_169 = tpu.vector_load %arg6[%get3A_167, %get3A_168] {strides = array<i32>} : memref<200x64xf32, #tpu.memory_space<vmem>>, vector<16xf32>,
        %max3A_170 = arith.maximumf %scan3A_156, %get3A_169 : vector<16xf32>
        %scan3A_171 = arith.constant 1 : i32
        %scan3A_172 = arith.addi %scan3A_152, %scan3A_171 : i32
        %get3A_173 = arith.index_cast %scan3A_172 : i32 to index
        %get3A_174 = arith.constant 0 : index
        %get3A_175 = tpu.vector_load %arg6[%get3A_173, %get3A_174] {strides = array<i32>} : memref<200x64xf32, #tpu.memory_space<vmem>>, vector<16xf32>,
        %max3A_176 = arith.maximumf %max3A, %get3A_175 : vector<16xf32>
        %get3A_177 = arith.index_cast %scan3A_172 : i32 to index
        %get3A_178 = arith.constant 16 : index
        %get3A_179 = tpu.vector_load %arg6[%get3A_177, %get3A_178] {strides = array<i32>} : memref<200x64xf32, #tpu.memory_space<vmem>>, vector<16xf32>,
        %max3A_180 = arith.maximumf %max3A_162, %get3A_179 : vector<16xf32>
        %get3A_181 = arith.index_cast %scan3A_172 : i32 to index
        %get3A_182 = arith.constant 32 : index
        %get3A_183 = tpu.vector_load %arg6[%get3A_181, %get3A_182] {strides = array<i32>} : memref<200x64xf32, #tpu.memory_space<vmem>>, vector<16xf32>,
        %max3A_184 = arith.maximumf %max3A_166, %get3A_183 : vector<16xf32>
        %get3A_185 = arith.index_cast %scan3A_172 : i32 to index
        %get3A_186 = arith.constant 48 : index
        %get3A_187 = tpu.vector_load %arg6[%get3A_185, %get3A_186] {strides = array<i32>} : memref<200x64xf32, #tpu.memory_space<vmem>>, vector<16xf32>,
        %max3A_188 = arith.maximumf %max3A_170, %get3A_187 : vector<16xf32>
        %scan3A_189 = arith.constant 2 : i32
        %scan3A_190 = arith.addi %scan3A_152, %scan3A_189 : i32
        %get3A_191 = arith.index_cast %scan3A_190 : i32 to index
        %get3A_192 = arith.constant 0 : index
        %get3A_193 = tpu.vector_load %arg6[%get3A_191, %get3A_192] {strides = array<i32>} : memref<200x64xf32, #tpu.memory_space<vmem>>, vector<16xf32>,
        %max3A_194 = arith.maximumf %max3A_176, %get3A_193 : vector<16xf32>
        %get3A_195 = arith.index_cast %scan3A_190 : i32 to index
        %get3A_196 = arith.constant 16 : index
        %get3A_197 = tpu.vector_load %arg6[%get3A_195, %get3A_196] {strides = array<i32>} : memref<200x64xf32, #tpu.memory_space<vmem>>, vector<16xf32>,
        %max3A_198 = arith.maximumf %max3A_180, %get3A_197 : vector<16xf32>
        %get3A_199 = arith.index_cast %scan3A_190 : i32 to index
        %get3A_200 = arith.constant 32 : index
        %get3A_201 = tpu.vector_load %arg6[%get3A_199, %get3A_200] {strides = array<i32>} : memref<200x64xf32, #tpu.memory_space<vmem>>, vector<16xf32>,
        %max3A_202 = arith.maximumf %max3A_184, %get3A_201 : vector<16xf32>
        %get3A_203 = arith.index_cast %scan3A_190 : i32 to index
        %get3A_204 = arith.constant 48 : index
        %get3A_205 = tpu.vector_load %arg6[%get3A_203, %get3A_204] {strides = array<i32>} : memref<200x64xf32, #tpu.memory_space<vmem>>, vector<16xf32>,
        %max3A_206 = arith.maximumf %max3A_188, %get3A_205 : vector<16xf32>
        %scan3A_207 = arith.constant 3 : i32
        %scan3A_208 = arith.addi %scan3A_152, %scan3A_207 : i32
        %get3A_209 = arith.index_cast %scan3A_208 : i32 to index
        %get3A_210 = arith.constant 0 : index
        %get3A_211 = tpu.vector_load %arg6[%get3A_209, %get3A_210] {strides = array<i32>} : memref<200x64xf32, #tpu.memory_space<vmem>>, vector<16xf32>,
        %max3A_212 = arith.maximumf %max3A_194, %get3A_211 : vector<16xf32>
        %get3A_213 = arith.index_cast %scan3A_208 : i32 to index
        %get3A_214 = arith.constant 16 : index
        %get3A_215 = tpu.vector_load %arg6[%get3A_213, %get3A_214] {strides = array<i32>} : memref<200x64xf32, #tpu.memory_space<vmem>>, vector<16xf32>,
        %max3A_216 = arith.maximumf %max3A_198, %get3A_215 : vector<16xf32>
        %get3A_217 = arith.index_cast %scan3A_208 : i32 to index
        %get3A_218 = arith.constant 32 : index
        %get3A_219 = tpu.vector_load %arg6[%get3A_217, %get3A_218] {strides = array<i32>} : memref<200x64xf32, #tpu.memory_space<vmem>>, vector<16xf32>,
        %max3A_220 = arith.maximumf %max3A_202, %get3A_219 : vector<16xf32>
        %get3A_221 = arith.index_cast %scan3A_208 : i32 to index
        %get3A_222 = arith.constant 48 : index
        %get3A_223 = tpu.vector_load %arg6[%get3A_221, %get3A_222] {strides = array<i32>} : memref<200x64xf32, #tpu.memory_space<vmem>>, vector<16xf32>,
        %max3A_224 = arith.maximumf %max3A_206, %get3A_223 : vector<16xf32>
        %scan3A_225 = arith.constant 4 : i32
        %scan3A_226 = arith.addi %scan3A_152, %scan3A_225 : i32
        %get3A_227 = arith.index_cast %scan3A_226 : i32 to index
        %get3A_228 = arith.constant 0 : index
        %get3A_229 = tpu.vector_load %arg6[%get3A_227, %get3A_228] {strides = array<i32>} : memref<200x64xf32, #tpu.memory_space<vmem>>, vector<16xf32>,
        %max3A_230 = arith.maximumf %max3A_212, %get3A_229 : vector<16xf32>
        %get3A_231 = arith.index_cast %scan3A_226 : i32 to index
        %get3A_232 = arith.constant 16 : index
        %get3A_233 = tpu.vector_load %arg6[%get3A_231, %get3A_232] {strides = array<i32>} : memref<200x64xf32, #tpu.memory_space<vmem>>, vector<16xf32>,
        %max3A_234 = arith.maximumf %max3A_216, %get3A_233 : vector<16xf32>
        %get3A_235 = arith.index_cast %scan3A_226 : i32 to index
        %get3A_236 = arith.constant 32 : index
        %get3A_237 = tpu.vector_load %arg6[%get3A_235, %get3A_236] {strides = array<i32>} : memref<200x64xf32, #tpu.memory_space<vmem>>, vector<16xf32>,
        %max3A_238 = arith.maximumf %max3A_220, %get3A_237 : vector<16xf32>
        %get3A_239 = arith.index_cast %scan3A_226 : i32 to index
        %get3A_240 = arith.constant 48 : index
        %get3A_241 = tpu.vector_load %arg6[%get3A_239, %get3A_240] {strides = array<i32>} : memref<200x64xf32, #tpu.memory_space<vmem>>, vector<16xf32>,
        %max3A_242 = arith.maximumf %max3A_224, %get3A_241 : vector<16xf32>
        %scan3A_243 = arith.constant 5 : i32
        %scan3A_244 = arith.addi %scan3A_152, %scan3A_243 : i32
        %get3A_245 = arith.index_cast %scan3A_244 : i32 to index
        %get3A_246 = arith.constant 0 : index
        %get3A_247 = tpu.vector_load %arg6[%get3A_245, %get3A_246] {strides = array<i32>} : memref<200x64xf32, #tpu.memory_space<vmem>>, vector<16xf32>,
        %max3A_248 = arith.maximumf %max3A_230, %get3A_247 : vector<16xf32>
        %get3A_249 = arith.index_cast %scan3A_244 : i32 to index
        %get3A_250 = arith.constant 16 : index
        %get3A_251 = tpu.vector_load %arg6[%get3A_249, %get3A_250] {strides = array<i32>} : memref<200x64xf32, #tpu.memory_space<vmem>>, vector<16xf32>,
        %max3A_252 = arith.maximumf %max3A_234, %get3A_251 : vector<16xf32>
        %get3A_253 = arith.index_cast %scan3A_244 : i32 to index
        %get3A_254 = arith.constant 32 : index
        %get3A_255 = tpu.vector_load %arg6[%get3A_253, %get3A_254] {strides = array<i32>} : memref<200x64xf32, #tpu.memory_space<vmem>>, vector<16xf32>,
        %max3A_256 = arith.maximumf %max3A_238, %get3A_255 : vector<16xf32>
        %get3A_257 = arith.index_cast %scan3A_244 : i32 to index
        %get3A_258 = arith.constant 48 : index
        %get3A_259 = tpu.vector_load %arg6[%get3A_257, %get3A_258] {strides = array<i32>} : memref<200x64xf32, #tpu.memory_space<vmem>>, vector<16xf32>,
        %max3A_260 = arith.maximumf %max3A_242, %get3A_259 : vector<16xf32>
        %scan3A_261 = arith.constant 6 : i32
        %scan3A_262 = arith.addi %scan3A_152, %scan3A_261 : i32
        %get3A_263 = arith.index_cast %scan3A_262 : i32 to index
        %get3A_264 = arith.constant 0 : index
        %get3A_265 = tpu.vector_load %arg6[%get3A_263, %get3A_264] {strides = array<i32>} : memref<200x64xf32, #tpu.memory_space<vmem>>, vector<16xf32>,
        %max3A_266 = arith.maximumf %max3A_248, %get3A_265 : vector<16xf32>
        %get3A_267 = arith.index_cast %scan3A_262 : i32 to index
        %get3A_268 = arith.constant 16 : index
        %get3A_269 = tpu.vector_load %arg6[%get3A_267, %get3A_268] {strides = array<i32>} : memref<200x64xf32, #tpu.memory_space<vmem>>, vector<16xf32>,
        %max3A_270 = arith.maximumf %max3A_252, %get3A_269 : vector<16xf32>
        %get3A_271 = arith.index_cast %scan3A_262 : i32 to index
        %get3A_272 = arith.constant 32 : index
        %get3A_273 = tpu.vector_load %arg6[%get3A_271, %get3A_272] {strides = array<i32>} : memref<200x64xf32, #tpu.memory_space<vmem>>, vector<16xf32>,
        %max3A_274 = arith.maximumf %max3A_256, %get3A_273 : vector<16xf32>
        %get3A_275 = arith.index_cast %scan3A_262 : i32 to index
        %get3A_276 = arith.constant 48 : index
        %get3A_277 = tpu.vector_load %arg6[%get3A_275, %get3A_276] {strides = array<i32>} : memref<200x64xf32, #tpu.memory_space<vmem>>, vector<16xf32>,
        %max3A_278 = arith.maximumf %max3A_260, %get3A_277 : vector<16xf32>
        %scan3A_279 = arith.constant 7 : i32
        %scan3A_280 = arith.addi %scan3A_152, %scan3A_279 : i32
        %get3A_281 = arith.index_cast %scan3A_280 : i32 to index
        %get3A_282 = arith.constant 0 : index
        %get3A_283 = tpu.vector_load %arg6[%get3A_281, %get3A_282] {strides = array<i32>} : memref<200x64xf32, #tpu.memory_space<vmem>>, vector<16xf32>,
        %max3A_284 = arith.maximumf %max3A_266, %get3A_283 : vector<16xf32>
        %get3A_285 = arith.index_cast %scan3A_280 : i32 to index
        %get3A_286 = arith.constant 16 : index
        %get3A_287 = tpu.vector_load %arg6[%get3A_285, %get3A_286] {strides = array<i32>} : memref<200x64xf32, #tpu.memory_space<vmem>>, vector<16xf32>,
        %max3A_288 = arith.maximumf %max3A_270, %get3A_287 : vector<16xf32>
        %get3A_289 = arith.index_cast %scan3A_280 : i32 to index
        %get3A_290 = arith.constant 32 : index
        %get3A_291 = tpu.vector_load %arg6[%get3A_289, %get3A_290] {strides = array<i32>} : memref<200x64xf32, #tpu.memory_space<vmem>>, vector<16xf32>,
        %max3A_292 = arith.maximumf %max3A_274, %get3A_291 : vector<16xf32>
        %get3A_293 = arith.index_cast %scan3A_280 : i32 to index
        %get3A_294 = arith.constant 48 : index
        %get3A_295 = tpu.vector_load %arg6[%get3A_293, %get3A_294] {strides = array<i32>} : memref<200x64xf32, #tpu.memory_space<vmem>>, vector<16xf32>,
        %max3A_296 = arith.maximumf %max3A_278, %get3A_295 : vector<16xf32>
        scf.yield %max3A_284, %max3A_288, %max3A_292, %max3A_296 : vector<16xf32>, vector<16xf32>, vector<16xf32>, vector<16xf32>
      }
      %scan3A_81 = arith.constant 200 : i32
      %swap3A = arith.index_cast %add3A_51 : i32 to index
      %swap3A_82 = arith.constant 0 : index
      %swap3A_83 = tpu.vector_load %arg8[%swap3A, %swap3A_82] {strides = array<i32>} : memref<128x64xf32, #tpu.memory_space<vmem>>, vector<16xf32>,
      tpu.vector_store %arg8[%swap3A, %swap3A_82], %scan3A_80#0 {strides = array<i32>} : memref<128x64xf32, #tpu.memory_space<vmem>>, vector<16xf32>,
      %swap3A_84 = arith.index_cast %add3A_51 : i32 to index
      %swap3A_85 = arith.constant 16 : index
      %swap3A_86 = tpu.vector_load %arg8[%swap3A_84, %swap3A_85] {strides = array<i32>} : memref<128x64xf32, #tpu.memory_space<vmem>>, vector<16xf32>,
      tpu.vector_store %arg8[%swap3A_84, %swap3A_85], %scan3A_80#1 {strides = array<i32>} : memref<128x64xf32, #tpu.memory_space<vmem>>, vector<16xf32>,
      %swap3A_87 = arith.index_cast %add3A_51 : i32 to index
      %swap3A_88 = arith.constant 32 : index
      %swap3A_89 = tpu.vector_load %arg8[%swap3A_87, %swap3A_88] {strides = array<i32>} : memref<128x64xf32, #tpu.memory_space<vmem>>, vector<16xf32>,
      tpu.vector_store %arg8[%swap3A_87, %swap3A_88], %scan3A_80#2 {strides = array<i32>} : memref<128x64xf32, #tpu.memory_space<vmem>>, vector<16xf32>,
      %swap3A_90 = arith.index_cast %add3A_51 : i32 to index
      %swap3A_91 = arith.constant 48 : index
      %swap3A_92 = tpu.vector_load %arg8[%swap3A_90, %swap3A_91] {strides = array<i32>} : memref<128x64xf32, #tpu.memory_space<vmem>>, vector<16xf32>,
      tpu.vector_store %arg8[%swap3A_90, %swap3A_91], %scan3A_80#3 {strides = array<i32>} : memref<128x64xf32, #tpu.memory_space<vmem>>, vector<16xf32>,
      %add3A_93 = arith.constant 2 : i32
      %add3A_94 = arith.addi %add3A_51, %add3A_93 : i32
      %lt3A = arith.constant 128 : i32
      %lt3A_95 = arith.cmpi slt, %add3A_94, %lt3A : i32
      %convert_element_type3A = arith.extui %lt3A_95 : i1 to i32
      %cond3A = arith.constant 0 : i32
      %cond3A_96 = arith.cmpi ne, %convert_element_type3A, %cond3A : i32
      scf.if %cond3A_96 {
        %dma_start3A_152 = arith.constant 0 : i32
        %dma_start3A_153 = arith.constant 0 : i32
        %dma_start3A_154 = tpu.memref_slice %arg6[%dma_start3A_152, %dma_start3A_153] : memref<200x64xf32, #tpu.memory_space<vmem>> -> memref<128x64xf32, #tpu.memory_space<vmem>>
        %dma_start3A_155 = arith.constant 0 : i32
        %dma_start3A_156 = tpu.memref_slice %arg5[%add3A_94, %dma_start3A_155] : memref<128x200xi32, #tpu.memory_space<vmem>> -> memref<1x128xi32, #tpu.memory_space<vmem>>
        %dma_start3A_157 = tpu.memref_squeeze %dma_start3A_156 : memref<1x128xi32, #tpu.memory_space<vmem>> -> memref<128xi32, #tpu.memory_space<vmem>>
        %dma_start3A_158 = arith.constant 0 : i32
        %dma_start3A_159 = arith.constant 0 : i32
        %dma_start3A_160 = tpu.memref_slice %arg3[%dma_start3A_158, %dma_start3A_159] : memref<1000000x64xf32, #tpu.memory_space<hbm>> -> memref<1000000x64xf32, #tpu.memory_space<hbm>>
        tpu.enqueue_indirect_dma source(%dma_start3A_160 : memref<1000000x64xf32, #tpu.memory_space<hbm>>) target(%dma_start3A_154 : memref<128x64xf32, #tpu.memory_space<vmem>>) offsets(%dma_start3A_157 : memref<128xi32, #tpu.memory_space<vmem>>) semaphore(%arg9 : memref<!tpu.dma_semaphore, #tpu.memory_space<semaphore_mem>>)
        %dma_start3A_161 = arith.constant 128 : i32
        %dma_start3A_162 = arith.constant 0 : i32
        %dma_start3A_163 = tpu.memref_slice %arg6[%dma_start3A_161, %dma_start3A_162] : memref<200x64xf32, #tpu.memory_space<vmem>> -> memref<72x64xf32, #tpu.memory_space<vmem>>
        %dma_start3A_164 = arith.constant 128 : i32
        %dma_start3A_165 = tpu.memref_slice %arg5[%add3A_94, %dma_start3A_164] : memref<128x200xi32, #tpu.memory_space<vmem>> -> memref<1x72xi32, #tpu.memory_space<vmem>>
        %dma_start3A_166 = tpu.memref_squeeze %dma_start3A_165 : memref<1x72xi32, #tpu.memory_space<vmem>> -> memref<72xi32, #tpu.memory_space<vmem>>
        %dma_start3A_167 = arith.constant 0 : i32
        %dma_start3A_168 = arith.constant 0 : i32
        %dma_start3A_169 = tpu.memref_slice %arg3[%dma_start3A_167, %dma_start3A_168] : memref<1000000x64xf32, #tpu.memory_space<hbm>> -> memref<1000000x64xf32, #tpu.memory_space<hbm>>
        tpu.enqueue_indirect_dma source(%dma_start3A_169 : memref<1000000x64xf32, #tpu.memory_space<hbm>>) target(%dma_start3A_163 : memref<72x64xf32, #tpu.memory_space<vmem>>) offsets(%dma_start3A_166 : memref<72xi32, #tpu.memory_space<vmem>>) semaphore(%arg9 : memref<!tpu.dma_semaphore, #tpu.memory_space<semaphore_mem>>)
      } else {
      }
      %mul3A_97 = arith.constant 2 : i32
      %mul3A_98 = arith.muli %mul3A_97, %scan3A_47 : i32
      %add3A_99 = arith.constant 1 : i32
      %add3A_100 = arith.addi %mul3A_98, %add3A_99 : i32
      %dma_wait3A_101 = arith.constant 0 : i32
      %dma_wait3A_102 = arith.constant 0 : i32
      %dma_wait3A_103 = tpu.memref_slice %arg7[%dma_wait3A_101, %dma_wait3A_102] : memref<200x64xf32, #tpu.memory_space<vmem>> -> memref<128x64xf32, #tpu.memory_space<vmem>>
      %dma_wait3A_104 = arith.constant 0 : i32
      %dma_wait3A_105 = tpu.memref_slice %arg5[%add3A_100, %dma_wait3A_104] : memref<128x200xi32, #tpu.memory_space<vmem>> -> memref<1x128xi32, #tpu.memory_space<vmem>>
      %dma_wait3A_106 = tpu.memref_squeeze %dma_wait3A_105 : memref<1x128xi32, #tpu.memory_space<vmem>> -> memref<128xi32, #tpu.memory_space<vmem>>
      %dma_wait3A_107 = arith.constant 0 : i32
      %dma_wait3A_108 = arith.constant 0 : i32
      %dma_wait3A_109 = tpu.memref_slice %arg3[%dma_wait3A_107, %dma_wait3A_108] : memref<1000000x64xf32, #tpu.memory_space<hbm>> -> memref<1000000x64xf32, #tpu.memory_space<hbm>>
      tpu.wait_indirect_dma semaphore(%arg10 : memref<!tpu.dma_semaphore, #tpu.memory_space<semaphore_mem>>) src(%dma_wait3A_109 : memref<1000000x64xf32, #tpu.memory_space<hbm>>) dst(%dma_wait3A_103 : memref<128x64xf32, #tpu.memory_space<vmem>>)
      %dma_wait3A_110 = arith.constant 128 : i32
      %dma_wait3A_111 = arith.constant 0 : i32
      %dma_wait3A_112 = tpu.memref_slice %arg7[%dma_wait3A_110, %dma_wait3A_111] : memref<200x64xf32, #tpu.memory_space<vmem>> -> memref<72x64xf32, #tpu.memory_space<vmem>>
      %dma_wait3A_113 = arith.constant 128 : i32
      %dma_wait3A_114 = tpu.memref_slice %arg5[%add3A_100, %dma_wait3A_113] : memref<128x200xi32, #tpu.memory_space<vmem>> -> memref<1x72xi32, #tpu.memory_space<vmem>>
      %dma_wait3A_115 = tpu.memref_squeeze %dma_wait3A_114 : memref<1x72xi32, #tpu.memory_space<vmem>> -> memref<72xi32, #tpu.memory_space<vmem>>
      %dma_wait3A_116 = arith.constant 0 : i32
      %dma_wait3A_117 = arith.constant 0 : i32
      %dma_wait3A_118 = tpu.memref_slice %arg3[%dma_wait3A_116, %dma_wait3A_117] : memref<1000000x64xf32, #tpu.memory_space<hbm>> -> memref<1000000x64xf32, #tpu.memory_space<hbm>>
      tpu.wait_indirect_dma semaphore(%arg10 : memref<!tpu.dma_semaphore, #tpu.memory_space<semaphore_mem>>) src(%dma_wait3A_118 : memref<1000000x64xf32, #tpu.memory_space<hbm>>) dst(%dma_wait3A_112 : memref<72x64xf32, #tpu.memory_space<vmem>>)
      %broadcast_in_dim3A_119 = arith.constant 0xFF800000 : f32
      %broadcast_in_dim3A_120 = vector.broadcast %broadcast_in_dim3A_119 : f32 to vector<16xf32>
      %broadcast_in_dim3A_121 = arith.constant 0xFF800000 : f32
      %broadcast_in_dim3A_122 = vector.broadcast %broadcast_in_dim3A_121 : f32 to vector<16xf32>
      %broadcast_in_dim3A_123 = arith.constant 0xFF800000 : f32
      %broadcast_in_dim3A_124 = vector.broadcast %broadcast_in_dim3A_123 : f32 to vector<16xf32>
      %broadcast_in_dim3A_125 = arith.constant 0xFF800000 : f32
      %broadcast_in_dim3A_126 = vector.broadcast %broadcast_in_dim3A_125 : f32 to vector<16xf32>
      %scan3A_127 = arith.constant 0 : i32
      %scan3A_128 = arith.constant 200 : i32
      %scan3A_129 = arith.addi %scan3A_127, %scan3A_128 : i32
      %scan3A_130 = arith.constant 8 : i32
      %scan3A_131:4 = scf.for %scan3A_152 = %scan3A_127 to %scan3A_129 step %scan3A_130 iter_args(%scan3A_153 = %broadcast_in_dim3A_120, %scan3A_154 = %broadcast_in_dim3A_122, %scan3A_155 = %broadcast_in_dim3A_124, %scan3A_156 = %broadcast_in_dim3A_126) -> (vector<16xf32>, vector<16xf32>, vector<16xf32>, vector<16xf32>)  : i32 {
        %get3A = arith.index_cast %scan3A_152 : i32 to index
        %get3A_157 = arith.constant 0 : index
        %get3A_158 = tpu.vector_load %arg7[%get3A, %get3A_157] {strides = array<i32>} : memref<200x64xf32, #tpu.memory_space<vmem>>, vector<16xf32>,
        %max3A = arith.maximumf %scan3A_153, %get3A_158 : vector<16xf32>
        %get3A_159 = arith.index_cast %scan3A_152 : i32 to index
        %get3A_160 = arith.constant 16 : index
        %get3A_161 = tpu.vector_load %arg7[%get3A_159, %get3A_160] {strides = array<i32>} : memref<200x64xf32, #tpu.memory_space<vmem>>, vector<16xf32>,
        %max3A_162 = arith.maximumf %scan3A_154, %get3A_161 : vector<16xf32>
        %get3A_163 = arith.index_cast %scan3A_152 : i32 to index
        %get3A_164 = arith.constant 32 : index
        %get3A_165 = tpu.vector_load %arg7[%get3A_163, %get3A_164] {strides = array<i32>} : memref<200x64xf32, #tpu.memory_space<vmem>>, vector<16xf32>,
        %max3A_166 = arith.maximumf %scan3A_155, %get3A_165 : vector<16xf32>
        %get3A_167 = arith.index_cast %scan3A_152 : i32 to index
        %get3A_168 = arith.constant 48 : index
        %get3A_169 = tpu.vector_load %arg7[%get3A_167, %get3A_168] {strides = array<i32>} : memref<200x64xf32, #tpu.memory_space<vmem>>, vector<16xf32>,
        %max3A_170 = arith.maximumf %scan3A_156, %get3A_169 : vector<16xf32>
        %scan3A_171 = arith.constant 1 : i32
        %scan3A_172 = arith.addi %scan3A_152, %scan3A_171 : i32
        %get3A_173 = arith.index_cast %scan3A_172 : i32 to index
        %get3A_174 = arith.constant 0 : index
        %get3A_175 = tpu.vector_load %arg7[%get3A_173, %get3A_174] {strides = array<i32>} : memref<200x64xf32, #tpu.memory_space<vmem>>, vector<16xf32>,
        %max3A_176 = arith.maximumf %max3A, %get3A_175 : vector<16xf32>
        %get3A_177 = arith.index_cast %scan3A_172 : i32 to index
        %get3A_178 = arith.constant 16 : index
        %get3A_179 = tpu.vector_load %arg7[%get3A_177, %get3A_178] {strides = array<i32>} : memref<200x64xf32, #tpu.memory_space<vmem>>, vector<16xf32>,
        %max3A_180 = arith.maximumf %max3A_162, %get3A_179 : vector<16xf32>
        %get3A_181 = arith.index_cast %scan3A_172 : i32 to index
        %get3A_182 = arith.constant 32 : index
        %get3A_183 = tpu.vector_load %arg7[%get3A_181, %get3A_182] {strides = array<i32>} : memref<200x64xf32, #tpu.memory_space<vmem>>, vector<16xf32>,
        %max3A_184 = arith.maximumf %max3A_166, %get3A_183 : vector<16xf32>
        %get3A_185 = arith.index_cast %scan3A_172 : i32 to index
        %get3A_186 = arith.constant 48 : index
        %get3A_187 = tpu.vector_load %arg7[%get3A_185, %get3A_186] {strides = array<i32>} : memref<200x64xf32, #tpu.memory_space<vmem>>, vector<16xf32>,
        %max3A_188 = arith.maximumf %max3A_170, %get3A_187 : vector<16xf32>
        %scan3A_189 = arith.constant 2 : i32
        %scan3A_190 = arith.addi %scan3A_152, %scan3A_189 : i32
        %get3A_191 = arith.index_cast %scan3A_190 : i32 to index
        %get3A_192 = arith.constant 0 : index
        %get3A_193 = tpu.vector_load %arg7[%get3A_191, %get3A_192] {strides = array<i32>} : memref<200x64xf32, #tpu.memory_space<vmem>>, vector<16xf32>,
        %max3A_194 = arith.maximumf %max3A_176, %get3A_193 : vector<16xf32>
        %get3A_195 = arith.index_cast %scan3A_190 : i32 to index
        %get3A_196 = arith.constant 16 : index
        %get3A_197 = tpu.vector_load %arg7[%get3A_195, %get3A_196] {strides = array<i32>} : memref<200x64xf32, #tpu.memory_space<vmem>>, vector<16xf32>,
        %max3A_198 = arith.maximumf %max3A_180, %get3A_197 : vector<16xf32>
        %get3A_199 = arith.index_cast %scan3A_190 : i32 to index
        %get3A_200 = arith.constant 32 : index
        %get3A_201 = tpu.vector_load %arg7[%get3A_199, %get3A_200] {strides = array<i32>} : memref<200x64xf32, #tpu.memory_space<vmem>>, vector<16xf32>,
        %max3A_202 = arith.maximumf %max3A_184, %get3A_201 : vector<16xf32>
        %get3A_203 = arith.index_cast %scan3A_190 : i32 to index
        %get3A_204 = arith.constant 48 : index
        %get3A_205 = tpu.vector_load %arg7[%get3A_203, %get3A_204] {strides = array<i32>} : memref<200x64xf32, #tpu.memory_space<vmem>>, vector<16xf32>,
        %max3A_206 = arith.maximumf %max3A_188, %get3A_205 : vector<16xf32>
        %scan3A_207 = arith.constant 3 : i32
        %scan3A_208 = arith.addi %scan3A_152, %scan3A_207 : i32
        %get3A_209 = arith.index_cast %scan3A_208 : i32 to index
        %get3A_210 = arith.constant 0 : index
        %get3A_211 = tpu.vector_load %arg7[%get3A_209, %get3A_210] {strides = array<i32>} : memref<200x64xf32, #tpu.memory_space<vmem>>, vector<16xf32>,
        %max3A_212 = arith.maximumf %max3A_194, %get3A_211 : vector<16xf32>
        %get3A_213 = arith.index_cast %scan3A_208 : i32 to index
        %get3A_214 = arith.constant 16 : index
        %get3A_215 = tpu.vector_load %arg7[%get3A_213, %get3A_214] {strides = array<i32>} : memref<200x64xf32, #tpu.memory_space<vmem>>, vector<16xf32>,
        %max3A_216 = arith.maximumf %max3A_198, %get3A_215 : vector<16xf32>
        %get3A_217 = arith.index_cast %scan3A_208 : i32 to index
        %get3A_218 = arith.constant 32 : index
        %get3A_219 = tpu.vector_load %arg7[%get3A_217, %get3A_218] {strides = array<i32>} : memref<200x64xf32, #tpu.memory_space<vmem>>, vector<16xf32>,
        %max3A_220 = arith.maximumf %max3A_202, %get3A_219 : vector<16xf32>
        %get3A_221 = arith.index_cast %scan3A_208 : i32 to index
        %get3A_222 = arith.constant 48 : index
        %get3A_223 = tpu.vector_load %arg7[%get3A_221, %get3A_222] {strides = array<i32>} : memref<200x64xf32, #tpu.memory_space<vmem>>, vector<16xf32>,
        %max3A_224 = arith.maximumf %max3A_206, %get3A_223 : vector<16xf32>
        %scan3A_225 = arith.constant 4 : i32
        %scan3A_226 = arith.addi %scan3A_152, %scan3A_225 : i32
        %get3A_227 = arith.index_cast %scan3A_226 : i32 to index
        %get3A_228 = arith.constant 0 : index
        %get3A_229 = tpu.vector_load %arg7[%get3A_227, %get3A_228] {strides = array<i32>} : memref<200x64xf32, #tpu.memory_space<vmem>>, vector<16xf32>,
        %max3A_230 = arith.maximumf %max3A_212, %get3A_229 : vector<16xf32>
        %get3A_231 = arith.index_cast %scan3A_226 : i32 to index
        %get3A_232 = arith.constant 16 : index
        %get3A_233 = tpu.vector_load %arg7[%get3A_231, %get3A_232] {strides = array<i32>} : memref<200x64xf32, #tpu.memory_space<vmem>>, vector<16xf32>,
        %max3A_234 = arith.maximumf %max3A_216, %get3A_233 : vector<16xf32>
        %get3A_235 = arith.index_cast %scan3A_226 : i32 to index
        %get3A_236 = arith.constant 32 : index
        %get3A_237 = tpu.vector_load %arg7[%get3A_235, %get3A_236] {strides = array<i32>} : memref<200x64xf32, #tpu.memory_space<vmem>>, vector<16xf32>,
        %max3A_238 = arith.maximumf %max3A_220, %get3A_237 : vector<16xf32>
        %get3A_239 = arith.index_cast %scan3A_226 : i32 to index
        %get3A_240 = arith.constant 48 : index
        %get3A_241 = tpu.vector_load %arg7[%get3A_239, %get3A_240] {strides = array<i32>} : memref<200x64xf32, #tpu.memory_space<vmem>>, vector<16xf32>,
        %max3A_242 = arith.maximumf %max3A_224, %get3A_241 : vector<16xf32>
        %scan3A_243 = arith.constant 5 : i32
        %scan3A_244 = arith.addi %scan3A_152, %scan3A_243 : i32
        %get3A_245 = arith.index_cast %scan3A_244 : i32 to index
        %get3A_246 = arith.constant 0 : index
        %get3A_247 = tpu.vector_load %arg7[%get3A_245, %get3A_246] {strides = array<i32>} : memref<200x64xf32, #tpu.memory_space<vmem>>, vector<16xf32>,
        %max3A_248 = arith.maximumf %max3A_230, %get3A_247 : vector<16xf32>
        %get3A_249 = arith.index_cast %scan3A_244 : i32 to index
        %get3A_250 = arith.constant 16 : index
        %get3A_251 = tpu.vector_load %arg7[%get3A_249, %get3A_250] {strides = array<i32>} : memref<200x64xf32, #tpu.memory_space<vmem>>, vector<16xf32>,
        %max3A_252 = arith.maximumf %max3A_234, %get3A_251 : vector<16xf32>
        %get3A_253 = arith.index_cast %scan3A_244 : i32 to index
        %get3A_254 = arith.constant 32 : index
        %get3A_255 = tpu.vector_load %arg7[%get3A_253, %get3A_254] {strides = array<i32>} : memref<200x64xf32, #tpu.memory_space<vmem>>, vector<16xf32>,
        %max3A_256 = arith.maximumf %max3A_238, %get3A_255 : vector<16xf32>
        %get3A_257 = arith.index_cast %scan3A_244 : i32 to index
        %get3A_258 = arith.constant 48 : index
        %get3A_259 = tpu.vector_load %arg7[%get3A_257, %get3A_258] {strides = array<i32>} : memref<200x64xf32, #tpu.memory_space<vmem>>, vector<16xf32>,
        %max3A_260 = arith.maximumf %max3A_242, %get3A_259 : vector<16xf32>
        %scan3A_261 = arith.constant 6 : i32
        %scan3A_262 = arith.addi %scan3A_152, %scan3A_261 : i32
        %get3A_263 = arith.index_cast %scan3A_262 : i32 to index
        %get3A_264 = arith.constant 0 : index
        %get3A_265 = tpu.vector_load %arg7[%get3A_263, %get3A_264] {strides = array<i32>} : memref<200x64xf32, #tpu.memory_space<vmem>>, vector<16xf32>,
        %max3A_266 = arith.maximumf %max3A_248, %get3A_265 : vector<16xf32>
        %get3A_267 = arith.index_cast %scan3A_262 : i32 to index
        %get3A_268 = arith.constant 16 : index
        %get3A_269 = tpu.vector_load %arg7[%get3A_267, %get3A_268] {strides = array<i32>} : memref<200x64xf32, #tpu.memory_space<vmem>>, vector<16xf32>,
        %max3A_270 = arith.maximumf %max3A_252, %get3A_269 : vector<16xf32>
        %get3A_271 = arith.index_cast %scan3A_262 : i32 to index
        %get3A_272 = arith.constant 32 : index
        %get3A_273 = tpu.vector_load %arg7[%get3A_271, %get3A_272] {strides = array<i32>} : memref<200x64xf32, #tpu.memory_space<vmem>>, vector<16xf32>,
        %max3A_274 = arith.maximumf %max3A_256, %get3A_273 : vector<16xf32>
        %get3A_275 = arith.index_cast %scan3A_262 : i32 to index
        %get3A_276 = arith.constant 48 : index
        %get3A_277 = tpu.vector_load %arg7[%get3A_275, %get3A_276] {strides = array<i32>} : memref<200x64xf32, #tpu.memory_space<vmem>>, vector<16xf32>,
        %max3A_278 = arith.maximumf %max3A_260, %get3A_277 : vector<16xf32>
        %scan3A_279 = arith.constant 7 : i32
        %scan3A_280 = arith.addi %scan3A_152, %scan3A_279 : i32
        %get3A_281 = arith.index_cast %scan3A_280 : i32 to index
        %get3A_282 = arith.constant 0 : index
        %get3A_283 = tpu.vector_load %arg7[%get3A_281, %get3A_282] {strides = array<i32>} : memref<200x64xf32, #tpu.memory_space<vmem>>, vector<16xf32>,
        %max3A_284 = arith.maximumf %max3A_266, %get3A_283 : vector<16xf32>
        %get3A_285 = arith.index_cast %scan3A_280 : i32 to index
        %get3A_286 = arith.constant 16 : index
        %get3A_287 = tpu.vector_load %arg7[%get3A_285, %get3A_286] {strides = array<i32>} : memref<200x64xf32, #tpu.memory_space<vmem>>, vector<16xf32>,
        %max3A_288 = arith.maximumf %max3A_270, %get3A_287 : vector<16xf32>
        %get3A_289 = arith.index_cast %scan3A_280 : i32 to index
        %get3A_290 = arith.constant 32 : index
        %get3A_291 = tpu.vector_load %arg7[%get3A_289, %get3A_290] {strides = array<i32>} : memref<200x64xf32, #tpu.memory_space<vmem>>, vector<16xf32>,
        %max3A_292 = arith.maximumf %max3A_274, %get3A_291 : vector<16xf32>
        %get3A_293 = arith.index_cast %scan3A_280 : i32 to index
        %get3A_294 = arith.constant 48 : index
        %get3A_295 = tpu.vector_load %arg7[%get3A_293, %get3A_294] {strides = array<i32>} : memref<200x64xf32, #tpu.memory_space<vmem>>, vector<16xf32>,
        %max3A_296 = arith.maximumf %max3A_278, %get3A_295 : vector<16xf32>
        scf.yield %max3A_284, %max3A_288, %max3A_292, %max3A_296 : vector<16xf32>, vector<16xf32>, vector<16xf32>, vector<16xf32>
      }
      %scan3A_132 = arith.constant 200 : i32
      %swap3A_133 = arith.index_cast %add3A_100 : i32 to index
      %swap3A_134 = arith.constant 0 : index
      %swap3A_135 = tpu.vector_load %arg8[%swap3A_133, %swap3A_134] {strides = array<i32>} : memref<128x64xf32, #tpu.memory_space<vmem>>, vector<16xf32>,
      tpu.vector_store %arg8[%swap3A_133, %swap3A_134], %scan3A_131#0 {strides = array<i32>} : memref<128x64xf32, #tpu.memory_space<vmem>>, vector<16xf32>,
      %swap3A_136 = arith.index_cast %add3A_100 : i32 to index
      %swap3A_137 = arith.constant 16 : index
      %swap3A_138 = tpu.vector_load %arg8[%swap3A_136, %swap3A_137] {strides = array<i32>} : memref<128x64xf32, #tpu.memory_space<vmem>>, vector<16xf32>,
      tpu.vector_store %arg8[%swap3A_136, %swap3A_137], %scan3A_131#1 {strides = array<i32>} : memref<128x64xf32, #tpu.memory_space<vmem>>, vector<16xf32>,
      %swap3A_139 = arith.index_cast %add3A_100 : i32 to index
      %swap3A_140 = arith.constant 32 : index
      %swap3A_141 = tpu.vector_load %arg8[%swap3A_139, %swap3A_140] {strides = array<i32>} : memref<128x64xf32, #tpu.memory_space<vmem>>, vector<16xf32>,
      tpu.vector_store %arg8[%swap3A_139, %swap3A_140], %scan3A_131#2 {strides = array<i32>} : memref<128x64xf32, #tpu.memory_space<vmem>>, vector<16xf32>,
      %swap3A_142 = arith.index_cast %add3A_100 : i32 to index
      %swap3A_143 = arith.constant 48 : index
      %swap3A_144 = tpu.vector_load %arg8[%swap3A_142, %swap3A_143] {strides = array<i32>} : memref<128x64xf32, #tpu.memory_space<vmem>>, vector<16xf32>,
      tpu.vector_store %arg8[%swap3A_142, %swap3A_143], %scan3A_131#3 {strides = array<i32>} : memref<128x64xf32, #tpu.memory_space<vmem>>, vector<16xf32>,
      %add3A_145 = arith.constant 2 : i32
      %add3A_146 = arith.addi %add3A_100, %add3A_145 : i32
      %lt3A_147 = arith.constant 128 : i32
      %lt3A_148 = arith.cmpi slt, %add3A_146, %lt3A_147 : i32
      %convert_element_type3A_149 = arith.extui %lt3A_148 : i1 to i32
      %cond3A_150 = arith.constant 0 : i32
      %cond3A_151 = arith.cmpi ne, %convert_element_type3A_149, %cond3A_150 : i32
      scf.if %cond3A_151 {
        %dma_start3A_152 = arith.constant 0 : i32
        %dma_start3A_153 = arith.constant 0 : i32
        %dma_start3A_154 = tpu.memref_slice %arg7[%dma_start3A_152, %dma_start3A_153] : memref<200x64xf32, #tpu.memory_space<vmem>> -> memref<128x64xf32, #tpu.memory_space<vmem>>
        %dma_start3A_155 = arith.constant 0 : i32
        %dma_start3A_156 = tpu.memref_slice %arg5[%add3A_146, %dma_start3A_155] : memref<128x200xi32, #tpu.memory_space<vmem>> -> memref<1x128xi32, #tpu.memory_space<vmem>>
        %dma_start3A_157 = tpu.memref_squeeze %dma_start3A_156 : memref<1x128xi32, #tpu.memory_space<vmem>> -> memref<128xi32, #tpu.memory_space<vmem>>
        %dma_start3A_158 = arith.constant 0 : i32
        %dma_start3A_159 = arith.constant 0 : i32
        %dma_start3A_160 = tpu.memref_slice %arg3[%dma_start3A_158, %dma_start3A_159] : memref<1000000x64xf32, #tpu.memory_space<hbm>> -> memref<1000000x64xf32, #tpu.memory_space<hbm>>
        tpu.enqueue_indirect_dma source(%dma_start3A_160 : memref<1000000x64xf32, #tpu.memory_space<hbm>>) target(%dma_start3A_154 : memref<128x64xf32, #tpu.memory_space<vmem>>) offsets(%dma_start3A_157 : memref<128xi32, #tpu.memory_space<vmem>>) semaphore(%arg10 : memref<!tpu.dma_semaphore, #tpu.memory_space<semaphore_mem>>)
        %dma_start3A_161 = arith.constant 128 : i32
        %dma_start3A_162 = arith.constant 0 : i32
        %dma_start3A_163 = tpu.memref_slice %arg7[%dma_start3A_161, %dma_start3A_162] : memref<200x64xf32, #tpu.memory_space<vmem>> -> memref<72x64xf32, #tpu.memory_space<vmem>>
        %dma_start3A_164 = arith.constant 128 : i32
        %dma_start3A_165 = tpu.memref_slice %arg5[%add3A_146, %dma_start3A_164] : memref<128x200xi32, #tpu.memory_space<vmem>> -> memref<1x72xi32, #tpu.memory_space<vmem>>
        %dma_start3A_166 = tpu.memref_squeeze %dma_start3A_165 : memref<1x72xi32, #tpu.memory_space<vmem>> -> memref<72xi32, #tpu.memory_space<vmem>>
        %dma_start3A_167 = arith.constant 0 : i32
        %dma_start3A_168 = arith.constant 0 : i32
        %dma_start3A_169 = tpu.memref_slice %arg3[%dma_start3A_167, %dma_start3A_168] : memref<1000000x64xf32, #tpu.memory_space<hbm>> -> memref<1000000x64xf32, #tpu.memory_space<hbm>>
        tpu.enqueue_indirect_dma source(%dma_start3A_169 : memref<1000000x64xf32, #tpu.memory_space<hbm>>) target(%dma_start3A_163 : memref<72x64xf32, #tpu.memory_space<vmem>>) offsets(%dma_start3A_166 : memref<72xi32, #tpu.memory_space<vmem>>) semaphore(%arg10 : memref<!tpu.dma_semaphore, #tpu.memory_space<semaphore_mem>>)
      } else {
      }
    }
    %scan3A_46 = arith.constant 64 : i32
    "tpu.region"() ({
      %run_scoped3A = tpu.sem_alloc : memref<!tpu.dma_semaphore, #tpu.memory_space<semaphore_mem>>
      %dma_start3A_47 = arith.constant 0 : i32
      %dma_start3A_48 = tpu.memref_slice %arg4[%mul3A_2, %dma_start3A_47] : memref<4096x64xf32, #tpu.memory_space<hbm>> -> memref<128x64xf32, #tpu.memory_space<hbm>>
      %dma_start3A_49 = arith.constant 0 : i32
      %dma_start3A_50 = tpu.memref_slice %arg4[%mul3A_2, %dma_start3A_49] : memref<4096x64xf32, #tpu.memory_space<hbm>> -> memref<128x64xf32, #tpu.memory_space<hbm>>
      tpu.enqueue_dma source(%arg8 : memref<128x64xf32, #tpu.memory_space<vmem>>) target(%dma_start3A_50 : memref<128x64xf32, #tpu.memory_space<hbm>>) target_semaphore(%run_scoped3A : memref<!tpu.dma_semaphore, #tpu.memory_space<semaphore_mem>>)
      %dma_wait3A = arith.constant 0 : i32
      %dma_wait3A_51 = tpu.memref_slice %arg4[%mul3A_2, %dma_wait3A] : memref<4096x64xf32, #tpu.memory_space<hbm>> -> memref<128x64xf32, #tpu.memory_space<hbm>>
      %dma_wait3A_52 = arith.constant 0 : i32
      %dma_wait3A_53 = tpu.memref_slice %arg4[%mul3A_2, %dma_wait3A_52] : memref<4096x64xf32, #tpu.memory_space<hbm>> -> memref<128x64xf32, #tpu.memory_space<hbm>>
      tpu.wait_dma2 semaphore(%run_scoped3A : memref<!tpu.dma_semaphore, #tpu.memory_space<semaphore_mem>>) src(%arg8 : memref<128x64xf32, #tpu.memory_space<vmem>>) dst(%dma_wait3A_53 : memref<128x64xf32, #tpu.memory_space<hbm>>)
      tpu.yield
    }) : () -> ()
    return
  }
}

</mosaic_0001>

<sc_bundles>
// kernel: kernel.3.cloned.1.call-start
scs
__scs_entry_jumppad:
0x0: {  	(pc) =	sbr.rel $0x88, $3  }
0x1: {  	(tag) =	ssettag $0x0;
	lr =	simm.s32 $0x1  }
0x2: {  	[smem:$0x3F9F] =	sst lr;
	_ =	strace $0xD0000000  }
0x3: {  	_ = 	snop  }
0x4: {  	_ = 	snop  }
0x5: {  	_ = 	snop  }
0x6: {  	_ = 	snop  }
0x7: {  	_ = 	snop  }
__scs_overlays_trampoline_lowered:
0x8: {  	[smem:$0x3FAE] =	sst s0  }
0x9: {  	[smem:$0x3FAF] =	sst s1  }
0xa: {  	[smem:$0x3FB0] =	sst s2  }
0xb: {  	[smem:$0x3FB1] =	sst s3  }
0xc: {  	[smem:$0x3FB2] =	sst s4  }
0xd: {  	[smem:$0x3FB3] =	sst s5  }
0xe: {  	[smem:$0x3FB4] =	sst s6  }
0xf: {  	[smem:$0x3FB5] =	sst s7  }
0x10: {  	[smem:$0x3FB6] =	sst s8  }
0x11: {  	[smem:$0x3FB7] =	sst s9;
	s0 =	simm.s32 @!p0 $0x0  }
0x12: {  	s1 =	sld [smem:$0x3F9D];
	s0 =	simm.s32 @p0 $0x1  }
0x13: {  	[smem:$0x3FB8] =	sst s0;
	s0 =	simm.s32 @!p1 $0x0  }
0x14: {  	s2 =	sld [smem:$0x3F9C];
	s0 =	simm.s32 @p1 $0x1  }
0x15: {  	[smem:$0x3FB9] =	sst s0;
	s0 =	simm.s32 @!p2 $0x0  }
0x16: {  	s3 =	sld [smem:$0x3FDB];
	s0 =	simm.s32 @p2 $0x1  }
0x17: {  	s4 =	simm.s32 $0x1BF5;
	[smem:$0x3FBB] =	sst s0  }
0x18: {  	s0 =	sld [smem:$0x3F9E];
	_ =	swait.ge [sflag:s4], $0x0  }
0x19: {  	s7 =	sld [smem:$0x3F9F]  }
0x1a: {  	s8 =	sadd.s32 $0xFFFFE003, lr  }
0x1b: {  	s9 =	sadd.s32 $0xFFFFFEF7, lr;
	s5 =	simm.s32 $0xFFFFFFFF;
	p2 =	slt.u32 s8, $0xFFFFF086  }
0x1c: {  	p1 =	slt.u32 s9, $0xF7A;
	s5 =	simm.s32 @!p2 $0x0  }
0x1d: {  	s5 =	simm.s32 @p1 $0x1;
	p0 =	seq.s32 s7, s2  }
0x1e: {  	s7 =	smul.u32 @!p0 $0xF7A, s2;
	p2 =	seq.s32 @!p0 s5, $0x0  }
0x1f: {  	s9 =	smul.u32 $0xF7A, s1;
	s8 =	simm.s32 @!p0 $0x1BF5;
	p2 =	por !p2, p0  }
0x20: {  	[sflag:s8] =	ssyncset.s32 @!p0 $0xFFFFF086;
	s6 =	sadd.s32 @!p0 s3, s7;
	s7 =	simm.s32 @!p0 $0x108  }
0x21: {  	s3 =	sadd.s32 s3, s9;
	s6 =	sadd.s32 @!p0 $0x88, s6;
	s7 =	simm.s32 @p2 $0x1082  }
0x22: {  	[simem:s7], [sflag:s8] =	dma.local @!p0 [hbm:s6], $0xF7A  }
0x23: {  	s9 =	sor.u32 $0xD0000000, s2;
	s6 =	simm.s32 $0x108;
	_ =	swait.ge @!p0 [sflag:s8], $0x0  }
0x24: {  	s3 =	sadd.s32 $0x88, s3;
	s6 =	simm.s32 @!p1 $0x1082;
	[sflag:s4] =	ssyncset.s32 $0xFFFFF086  }
0x25: {  	[simem:s6], [sflag:s4] =	dma.local [hbm:s3], $0xF7A  }
0x26: {  	[smem:$0x3F9F] =	sst s1;
	(tag) =	ssettag s2;
	_ =	strace s9  }
0x27: {  	s1 =	sld [smem:$0x3FAF]  }
0x28: {  	s2 =	sld [smem:$0x3FB0]  }
0x29: {  	s4 =	sld [smem:$0x3FB2]  }
0x2a: {  	p0 =	seq.s32 s5, $0x0;
	s5 =	sld [smem:$0x3FB3]  }
0x2b: {  	s6 =	sld [smem:$0x3FB4]  }
0x2c: {  	s7 =	sld [smem:$0x3FB5]  }
0x2d: {  	s3 =	simm.s32 $0x108;
	s8 =	sld [smem:$0x3FB6]  }
0x2e: {  	s3 =	simm.s32 @!p0 $0x1082;
	s9 =	sld [smem:$0x3FB7]  }
0x2f: {  	lr =	sadd.s32 s0, s3;
	s0 =	sld [smem:$0x3FAE]  }
0x30: {  	s3 =	sld [smem:$0x3FB1]  }
0x31: {  	[smem:$0x3FBA] =	sst s10  }
0x32: {  	s10 =	sld [smem:$0x3FB8];
	_ =	sdelay $0x3  }
0x33: {  	p0 =	seq.s32 s10, $0x1;
	s10 =	sld [smem:$0x3FBA];
	_ =	sdelay $0x3  }
0x34: {  	[smem:$0x3FBA] =	sst s10  }
0x35: {  	s10 =	sld [smem:$0x3FB9];
	_ =	sdelay $0x3  }
0x36: {  	p1 =	seq.s32 s10, $0x1;
	s10 =	sld [smem:$0x3FBA];
	_ =	sdelay $0x3  }
0x37: {  	[smem:$0x3FBA] =	sst s10  }
0x38: {  	s10 =	sld [smem:$0x3FBB]  }
0x39: {  	_ = 	snop;
	(pc) =	sbr.ind lr, $3  }
0x3a: {  	_ = 	snop  }
0x3b: {  	_ = 	snop  }
0x3c: {  	p2 =	seq.s32 s10, $0x1;
	s10 =	sld [smem:$0x3FBA]  }
0x3d: {  	_ =	shalt  }
0x3e: {  	_ =	shalt  }
0x3f: {  	_ =	shalt  }
0x40: {  	_ =	shalt  }
0x41: {  	_ =	shalt  }
0x42: {  	_ =	shalt  }
0x43: {  	_ =	shalt  }
0x44: {  	_ =	shalt  }
0x45: {  	_ =	shalt  }
0x46: {  	_ =	shalt  }
0x47: {  	_ =	shalt  }
0x48: {  	_ =	shalt  }
0x49: {  	_ =	shalt  }
0x4a: {  	_ =	shalt  }
0x4b: {  	_ =	shalt  }
0x4c: {  	_ =	shalt  }
0x4d: {  	_ =	shalt  }
0x4e: {  	_ =	shalt  }
0x4f: {  	_ =	shalt  }
0x50: {  	_ =	shalt  }
0x51: {  	_ =	shalt  }
0x52: {  	_ =	shalt  }
0x53: {  	_ =	shalt  }
0x54: {  	_ =	shalt  }
0x55: {  	_ =	shalt  }
0x56: {  	_ =	shalt  }
0x57: {  	_ =	shalt  }
0x58: {  	_ =	shalt  }
0x59: {  	_ =	shalt  }
0x5a: {  	_ =	shalt  }
0x5b: {  	_ =	shalt  }
0x5c: {  	_ =	shalt  }
0x5d: {  	_ =	shalt  }
0x5e: {  	_ =	shalt  }
0x5f: {  	_ =	shalt  }
0x60: {  	_ =	shalt  }
0x61: {  	_ =	shalt  }
0x62: {  	_ =	shalt  }
0x63: {  	_ =	shalt  }
0x64: {  	_ =	shalt  }
0x65: {  	_ =	shalt  }
0x66: {  	_ =	shalt  }
0x67: {  	_ =	shalt  }
0x68: {  	_ =	shalt  }
0x69: {  	_ =	shalt  }
0x6a: {  	_ =	shalt  }
0x6b: {  	_ =	shalt  }
0x6c: {  	_ =	shalt  }
0x6d: {  	_ =	shalt  }
0x6e: {  	_ =	shalt  }
0x6f: {  	_ =	shalt  }
0x70: {  	_ =	shalt  }
0x71: {  	_ =	shalt  }
0x72: {  	_ =	shalt  }
0x73: {  	_ =	shalt  }
0x74: {  	_ =	shalt  }
0x75: {  	_ =	shalt  }
0x76: {  	_ =	shalt  }
0x77: {  	_ =	shalt  }
0x78: {  	_ =	shalt  }
0x79: {  	_ =	shalt  }
0x7a: {  	_ =	shalt  }
0x7b: {  	_ =	shalt  }
0x7c: {  	_ =	shalt  }
0x7d: {  	_ =	shalt  }
0x7e: {  	_ =	shalt  }
0x7f: {  	_ =	shalt  }
0x80: {  	_ =	shalt  }
0x81: {  	_ =	shalt  }
0x82: {  	_ =	shalt  }
0x83: {  	_ =	shalt  }
0x84: {  	_ =	shalt  }
0x85: {  	_ =	shalt  }
0x86: {  	_ =	shalt  }
0x87: {  	_ =	shalt  }
.Lfunc_end0:
.L_simem_size_0:
called_computation_lowered:
.L_overlay_start_0:
0x88: {  	s2 =	sld [smem:$0x3FD9]  }
0x89: {  	s3 =	sld [smem:$0x3FFE];
	_ =	sdelay $0x1  }
0x8a: {  	s1 =	srdreg.scid  }
0x8b: {  	s0 =	sand.u32 $0x1, s1  }
0x8c: {  	s17 =	sshll.u32 s0, $0xA;
	s2 =	sadd.s32 s3, s2  }
0x8d: {  	s2 =	sadd.s32 s2, s17  }
0x8e: {  	[smem:$0x3FC6] =	sst s2  }
0x8f: {  	_ = 	snop  }
0x90: {  	s2 =	sld [smem:$0x3FD0];
	(tm) =	ssettm $0x1  }
0x91: {  	s18 =	sld [smem:$0x3FFB];
	_ =	sdelay $0x3  }
0x92: {  	_ =	strace s18  }
0x93: {  	s3 =	sld [smem:$0x3FFC];
	_ =	sdelay $0x3  }
0x94: {  	_ =	strace s3  }
0x95: {  	s3 =	sld [smem:$0x3FFD];
	_ =	sdelay $0x3  }
0x96: {  	_ =	strace s3  }
0x97: {  	_ =	strace $0x8FFFFFFF  }
0x98: {  	s19 =	sld [smem:$0x3FDB];
	_ =	sdelay $0x1  }
0x99: {  	s4 =	simm.s32 $_scs_section_size  }
0x9a: {  	s5 =	simm.s32 $_size__tile_overlayer_lowered;
	s6 =	simm.s32 $_tile_overlayer_lowered  }
0x9b: {  	s22 =	simm.s32 $0x1BFF;
	s21 =	sshll.u32 s6, $0x1;
	s3 =	sadd.s32 s4, s19  }
0x9c: {  	s7 =	simm.s32 $0x0;
	s20 =	sshll.u32 s5, $0x1;
	s5 =	sadd.s32 s21, s3  }
0x9d: {  	[timem:s7], [sflag:s22] =	dma.local [hbm:s5], s20  }
0x9e: {  	_ =	swait.ge [sflag:s22], s20  }
0x9f: {  	s4 =	ssub.s32 $0x0, s20;
	[sflag:s22] =	ssyncset.done $0x0  }
0xa0: {  	[sflag:s22] =	ssyncadd.s32 s4;
	_ =	sdelay $0x1  }
0xa1: {  	s23 =	simm.s32 $0x1B8B  }
0xa2: {  	_ =	swait.ge [sflag:s23], $0x1  }
0xa3: {  	[sflag:s23] =	ssyncset.done $0x0  }
0xa4: {  	s25 =	simm.s32 $0x1B8E;
	s24 =	sld [smem:$0x3FFE];
	[sflag:s23] =	ssyncadd.s32 $0xFFFFFFFF  }
0xa5: {  	s26 =	simm.s32 $execute0_lowered;
	[smem:$0x3FD2] =	sst s25  }
0xa6: {  	s5 =	sshll.u32 s26, $0x1;
	_ =	strace $0x80000046;
	[dreg:$0x1] =	wrdreg $0xFFFFFFFF  }
0xa7: {  	s28 =	simm.s32 $_size_execute0_lowered;
	s3 =	sadd.s32 s3, s5;
	[dreg:$0x0] =	wrdreg $0x0  }
0xa8: {  	s5 =	sshll.u32 s28, $0x1;
	[dreg:$0x2] =	wrdreg s3  }
0xa9: {  	[dreg:$0x3] =	wrdreg s5  }
0xaa: {  	[dreg:$0x4] =	wrdreg $0xC0  }
0xab: {  	_ =	task [dreg:s7], $0x5FFFF  }
0xac: {  	[dreg:$0x1] =	wrdreg $0xFFFFFFFF  }
0xad: {  	[dreg:$0x0] =	wrdreg $0x60  }
0xae: {  	[dreg:$0x2] =	wrdreg s24  }
0xaf: {  	[dreg:$0x3] =	wrdreg s2  }
0xb0: {  	[dreg:$0x4] =	wrdreg $0x9  }
0xb1: {  	_ =	task.clear_ibuf [dreg:s7], $0x5FFFF;
	_ =	strace $0x90000046  }
0xb2: {  	s29 =	simm.s32 $0x9;
	_ =	strace $0x80000048  }
0xb3: {  	_ =	swait.ge [sflag:s29], $0x1  }
0xb4: {  	[sflag:s29] =	ssyncadd.s32 $0xFFFFFFFF  }
0xb5: {  	_ =	strace $0x90000048  }
0xb6: {  	_ =	sfence  }
0xb7: {  	s30 =	sld [smem:$0x0];
	_ =	sdelay $0x2  }
0xb8: {  	s31 =	sshll.u32 s1, $0xD;
	s1 =	sshrl.u32 s1, $0x2  }
0xb9: {  	s3 =	sand.u32 $0x4000, s31;
	s1 =	sadd.s32 s1, s30  }
0xba: {  	s0 =	sor.u32 s3, s0;
	s1 =	sshll.u32 s1, $0x11  }
0xbb: {  	s0 =	sor.u32 s1, s0  }
0xbc: {  	s0 =	sadd.s32 $0x8F2B, s0  }
0xbd: {  	[sflag:s0] =	ssyncadd.remote.s32 $0x1  }
0xbe: {  	_ =	sfence.sel $0xFFFF  }
0xbf: {  	[dreg:$0x0] =	wrdreg $0xFFFFFFFF;
	(pc) =	sbr.abs _section_cstart, $3  }
0xc0: {  	[dreg:$0x1] =	wrdreg $0xFFFFFFFF  }
0xc1: {  	_ =	task.clear_ibuf [dreg:s7], $0x2FFFF;
	_ =	strace $0x9FFFFFFF  }
0xc2: {  	(tm) =	ssettm $0x7FFFFFFF  }
0xc3: {  	_ =	shalt  }
tec
execute0_lowered:
.L_overlay_start_1:
0x0: {  	(tag) =	ssettag $0x1  }
0x1: {  	s1 =	srdreg.scid  }
0x2: {  	s3 =	rddreg [dreg:$0x0];
	s0 =	stileid.u32  }
0x3: {  	s5 =	rddreg [dreg:$0x1];
	s2 =	simm.s32 $0x0;
	s9 =	simm.s32 $0x6400  }
0x4: {  	s10 =	simm.s32 $0x48;
	s11 =	simm.s32 $0x8400;
	s12 =	simm.s32 $0xC8  }
0x5: {  	s13 =	simm.s32 $0x9600;
	s14 =	simm.s32 $0x148;
	s15 =	simm.s32 $0xB600  }
0x6: {  	s16 =	simm.s32 $0x1;
	s17 =	simm.s32 $0x2;
	s18 =	simm.s32 $0xC800  }
0x7: {  	s19 =	simm.s32 $0x0;
	s4 =	sand.u32 $0x1, s1;
	s1 =	rddreg [dreg:$0x2]  }
0x8: {  	s6 =	sshll.u32 s0, $0x8;
	[smem:$0x7FF] =	sst s2;
	s7 =	sshll.u32 s4, $0x7  }
.Ltmp0:
0x9: {  	s4 =	ssub.s32 $0x2, s4;
	s6 =	sor.u32 s7, s6;
	(pc) =	sbr.rel .LBB2_1-.Ltmp0, $4  }
0xa: {  	s8 =	sshrl.u32 s4, $0x1;
	s7 =	smul.u32 $0x19, s6;
	s6 =	sshll.u32 s6, $0x3  }
0xb: {  	_ =	strace $0x80000047;
	s8 =	ssub.s32 s4, s8;
	s5 =	sadd.s32 s5, s6  }
0xc: {  	s6 =	smax.u32 s8, $0x1;
	s8 =	simm.s32 $0x80;
	s7 =	sadd.s32 s7, s3  }
0xd: {  	s3 =	sadd.s32 $0xF42A00, s3;
	s4 =	sadd.s32 $0x600, s7;
	s7 =	simm.s32 $0x3  }
.LBB2_8:
0xe: {  	s19 =	sadd.s32 $0x1, s19  }
0xf: {  	p0 =	sne.s32 s19, s6  }
.Ltmp1:
0x10: {  	_ = 	snop;
	(pc) =	sbr.rel @!p0 .LBB2_9-.Ltmp1, $4  }
0x11: {  	[hbm4b:s5+s2] =	stream.linear.scatter [tilespmem:s18], [sflag:$0x3], $0x2000, $0x38;
	[tilespmem:$0xE800] =	vst v63  }
0x12: {  	_ =	swait.ge [sflag:s7], $0x2000  }
0x13: {  	[sflag:s7] =	ssyncset.done $0x0  }
0x14: {  	[sflag:s7] =	ssyncadd.s32 $0xFFFFE000  }
.LBB2_1:
0x15: {  	[tilespmem:s2], [sflag:$0x3] =	stream.linear.gather [hbm4b:s4+s2], $0x6400, $0x38;
	[tilespmem:$0xE800] =	vst v63  }
0x16: {  	_ =	swait.ge [sflag:s7], $0x6400  }
0x17: {  	[sflag:s7] =	ssyncset.done $0x0  }
0x18: {  	[sflag:s7] =	ssyncadd.s32 $0xFFFF9C00  }
0x19: {  	[tilespmem:s9], [sflag:$0x1] =	stream.indirect.gather [hbm4b:s3+s8], $0x40, s2, s8, $0xb8;
	[tilespmem:$0xE800] =	vst v63  }
0x1a: {  	_ = 	snop  }
0x1b: {  	[tilespmem:s11], [sflag:$0x1] =	stream.indirect.gather [hbm4b:s3+s10], $0x40, s8, s10, $0xb8;
	[tilespmem:$0xE800] =	vst v63  }
0x1c: {  	_ = 	snop  }
0x1d: {  	[tilespmem:s13], [sflag:$0x2] =	stream.indirect.gather [hbm4b:s3+s8], $0x40, s12, s8, $0xb8;
	[tilespmem:$0xE800] =	vst v63  }
0x1e: {  	s20 =	simm.s32 $0x0  }
0x1f: {  	[tilespmem:s15], [sflag:$0x2] =	stream.indirect.gather [hbm4b:s3+s10], $0x40, s14, s10, $0xb8;
	[tilespmem:$0xE800] =	vst v63  }
.LBB2_2:
0x20: {  	_ =	swait.ge [sflag:s16], $0x2000  }
0x21: {  	[sflag:s16] =	ssyncset.done $0x0  }
0x22: {  	[sflag:s16] =	ssyncadd.s32 $0xFFFFE000  }
0x23: {  	_ =	swait.ge [sflag:s16], $0x1200  }
0x24: {  	[sflag:s16] =	ssyncset.done $0x0  }
0x25: {  	s22 =	simm.s32 $0x6500;
	[sflag:s16] =	ssyncadd.s32 $0xFFFFEE00  }
0x26: {  	v8 =	vld [tilespmem:s22+$0xC0]  }
0x27: {  	v1 =	vld [tilespmem:s22+$0xD0]  }
0x28: {  	v0 =	vld [tilespmem:s22+$0xE0]  }
0x29: {  	v11 =	vld [tilespmem:s22+$0x80]  }
0x2a: {  	v2 =	vld [tilespmem:s22+$0x90]  }
0x2b: {  	v3 =	vld [tilespmem:s22+$0xA0]  }
0x2c: {  	v12 =	vld [tilespmem:s22+$0x40]  }
0x2d: {  	v4 =	vld [tilespmem:s22+$0x50]  }
0x2e: {  	v5 =	vld [tilespmem:s22+$0x60]  }
0x2f: {  	v13 =	vld [tilespmem:s22+$0x0]  }
0x30: {  	v6 =	vld [tilespmem:s22+$0x10]  }
0x31: {  	v7 =	vld [tilespmem:s22+$0x20]  }
0x32: {  	v14 =	vld [tilespmem:s22+$0xFFFFFFC0]  }
0x33: {  	v9 =	vld [tilespmem:s22+$0xFFFFFFD0]  }
0x34: {  	v10 =	vld [tilespmem:s22+$0xFFFFFFE0]  }
0x35: {  	v15 =	vld [tilespmem:s22+$0xFFFFFF80]  }
0x36: {  	v16 =	vld [tilespmem:s22+$0xFFFFFF00]  }
0x37: {  	v17 =	vld [tilespmem:s22+$0xFFFFFF40]  }
0x38: {  	v18 =	vld [tilespmem:s22+$0xFFFFFF90]  }
0x39: {  	v19 =	vld [tilespmem:s22+$0xFFFFFFA0]  }
0x3a: {  	v21 =	vld [tilespmem:s22+$0xFFFFFF50]  }
0x3b: {  	v20 =	vimm.f32 $-Inf;
	v22 =	vld [tilespmem:s22+$0xFFFFFF60]  }
0x3c: {  	v23 =	vld [tilespmem:s22+$0xFFFFFF10];
	v16 =	vmax.f32 v20, v16  }
0x3d: {  	v16 =	vmax.f32 v16, v17;
	v17 =	vld [tilespmem:s22+$0xFFFFFF20]  }
0x3e: {  	v15 =	vmax.f32 v16, v15;
	v16 =	vld [tilespmem:s22+$0xFFFFFF30]  }
0x3f: {  	v24 =	vld [tilespmem:s22+$0xFFFFFF70];
	v14 =	vmax.f32 v15, v14  }
0x40: {  	v13 =	vmax.f32 v14, v13;
	v14 =	vld [tilespmem:s22+$0xFFFFFFB0]  }
0x41: {  	v15 =	vld [tilespmem:s22+$0xFFFFFFF0];
	v12 =	vmax.f32 v13, v12  }
0x42: {  	v12 =	vmax.f32 v12, v11;
	v11 =	vld [tilespmem:s22+$0x30];
	v17 =	vmax.f32 v20, v17  }
0x43: {  	v13 =	vld [tilespmem:s22+$0x70];
	v8 =	vmax.f32 v12, v8;
	v12 =	vmax.f32 v20, v23;
	v16 =	vmax.f32 v20, v16  }
0x44: {  	v63 =	vmax.f32 v17, v22;
	v20 =	vmax.f32 v12, v21;
	v16 =	vmax.f32 v16, v24;
	v12 =	vld [tilespmem:s22+$0xB0]  }
0x45: {  	s21 =	simm.s32 $0x0;
	v17 =	vmax.f32 v20, v18;
	v18 =	vmax.f32 v63, v19;
	v16 =	vmax.f32 v16, v14;
	v14 =	vld [tilespmem:s22+$0xF0];
	s22 =	simm.s32 $0x6700  }
.LBB2_3:
0x46: {  	v19 =	vld [tilespmem:s22+$0xC0];
	v9 =	vmax.f32 v17, v9;
	v10 =	vmax.f32 v18, v10;
	v15 =	vmax.f32 v16, v15  }
0x47: {  	v16 =	vld [tilespmem:s22+$0xD0];
	v6 =	vmax.f32 v9, v6;
	v7 =	vmax.f32 v10, v7;
	v9 =	vmax.f32 v15, v11  }
0x48: {  	v10 =	vld [tilespmem:s22+$0xE0];
	v4 =	vmax.f32 v6, v4;
	v5 =	vmax.f32 v7, v5;
	v6 =	vmax.f32 v9, v13  }
0x49: {  	v11 =	vld [tilespmem:s22+$0x80];
	v4 =	vmax.f32 v4, v2;
	v3 =	vmax.f32 v5, v3;
	v5 =	vmax.f32 v6, v12  }
0x4a: {  	v2 =	vld [tilespmem:s22+$0x90];
	v12 =	vmax.f32 v4, v1;
	v13 =	vmax.f32 v3, v0;
	v14 =	vmax.f32 v5, v14  }
0x4b: {  	v3 =	vld [tilespmem:s22+$0xA0]  }
0x4c: {  	v15 =	vld [tilespmem:s22+$0x40];
	v1 =	vmov v16  }
0x4d: {  	v4 =	vld [tilespmem:s22+$0x50];
	v0 =	vmov v10  }
0x4e: {  	v5 =	vld [tilespmem:s22+$0x60]  }
0x4f: {  	v16 =	vld [tilespmem:s22+$0x0]  }
0x50: {  	v6 =	vld [tilespmem:s22+$0x10]  }
0x51: {  	v7 =	vld [tilespmem:s22+$0x20]  }
0x52: {  	v17 =	vld [tilespmem:s22+$0xFFFFFFC0]  }
0x53: {  	v9 =	vld [tilespmem:s22+$0xFFFFFFD0]  }
0x54: {  	v10 =	vld [tilespmem:s22+$0xFFFFFFE0]  }
0x55: {  	v18 =	vld [tilespmem:s22+$0xFFFFFF80]  }
0x56: {  	v20 =	vld [tilespmem:s22+$0xFFFFFF00]  }
0x57: {  	v21 =	vld [tilespmem:s22+$0xFFFFFF40]  }
0x58: {  	v22 =	vld [tilespmem:s22+$0xFFFFFF90]  }
0x59: {  	v23 =	vld [tilespmem:s22+$0xFFFFFFA0]  }
0x5a: {  	v24 =	vld [tilespmem:s22+$0xFFFFFF50]  }
0x5b: {  	v8 =	vmax.f32 v8, v20;
	v20 =	vld [tilespmem:s22+$0xFFFFFF60]  }
0x5c: {  	v25 =	vld [tilespmem:s22+$0xFFFFFF10];
	v8 =	vmax.f32 v8, v21  }
0x5d: {  	v21 =	vld [tilespmem:s22+$0xFFFFFF20];
	v8 =	vmax.f32 v8, v18  }
0x5e: {  	s21 =	sadd.s32 $0x8, s21;
	v18 =	vld [tilespmem:s22+$0xFFFFFF30];
	v8 =	vmax.f32 v8, v17  }
0x5f: {  	p0 =	slt.u32 s21, $0xC0;
	v17 =	vld [tilespmem:s22+$0xFFFFFF70];
	v8 =	vmax.f32 v8, v16  }
0x60: {  	v16 =	vld [tilespmem:s22+$0xFFFFFFB0];
	v8 =	vmax.f32 v8, v15  }
.Ltmp2:
0x61: {  	v15 =	vld [tilespmem:s22+$0xFFFFFFF0];
	v8 =	vmax.f32 v8, v11;
	(pc) =	sbr.rel @p0 .LBB2_3-.Ltmp2, $4  }
0x62: {  	v11 =	vld [tilespmem:s22+$0x30];
	v8 =	vmax.f32 v8, v19  }
0x63: {  	v12 =	vmax.f32 v12, v25;
	v19 =	vmax.f32 v13, v21;
	v14 =	vmax.f32 v14, v18;
	v13 =	vld [tilespmem:s22+$0x70]  }
0x64: {  	v18 =	vmax.f32 v12, v24;
	v19 =	vmax.f32 v19, v20;
	v14 =	vmax.f32 v14, v17;
	v12 =	vld [tilespmem:s22+$0xB0]  }
0x65: {  	v17 =	vmax.f32 v18, v22;
	v18 =	vmax.f32 v19, v23;
	v16 =	vmax.f32 v14, v16;
	v14 =	vld [tilespmem:s22+$0xF0];
	s22 =	sadd.s32 $0x200, s22  }
0x66: {  	v9 =	vmax.f32 v17, v9  }
0x67: {  	v10 =	vmax.f32 v18, v10;
	v6 =	vmax.f32 v9, v6  }
0x68: {  	s21 =	sshll.u32 s20, $0x7;
	v9 =	vmax.f32 v16, v15;
	v7 =	vmax.f32 v10, v7;
	v4 =	vmax.f32 v6, v4  }
0x69: {  	p0 =	seq.s32 s20, $0x3F;
	s21 =	sand.u32 $0x3FFFFF80, s21;
	v6 =	vmax.f32 v9, v11;
	v5 =	vmax.f32 v7, v5;
	v2 =	vmax.f32 v4, v2  }
0x6a: {  	s22 =	smul.u32 @!p0 $0x640, s20;
	[tilespmem:s21+$0xC800] =	vst v8;
	v4 =	vmax.f32 v6, v13;
	v3 =	vmax.f32 v5, v3;
	v1 =	vmax.f32 v2, v1  }
0x6b: {  	v2 =	vmax.f32 v4, v12;
	v0 =	vmax.f32 v3, v0;
	[tilespmem:s21+$0xC810] =	vst v1  }
0x6c: {  	s22 =	sshra.s32 @!p0 s22, $0x2;
	v1 =	vmax.f32 v2, v14;
	[tilespmem:s21+$0xC820] =	vst v0  }
0x6d: {  	s24 =	simm.s32 @!p0 $0x80;
	s25 =	simm.s32 @!p0 $0x6400;
	s23 =	sadd.s32 @!p0 $0x190, s22;
	[tilespmem:s21+$0xC830] =	vst v1  }
0x6e: {  	[tilespmem:s25], [sflag:$0x1] =	stream.indirect.gather @!p0 [hbm4b:s3+s24], $0x40, s23, s24, $0xb8;
	[tilespmem:$0xE800] =	vst v63  }
0x6f: {  	s22 =	sadd.s32 @!p0 $0x210, s22;
	s23 =	simm.s32 @!p0 $0x48;
	s24 =	simm.s32 @!p0 $0x8400  }
0x70: {  	[tilespmem:s24], [sflag:$0x1] =	stream.indirect.gather @!p0 [hbm4b:s3+s23], $0x40, s22, s23, $0xb8;
	[tilespmem:$0xE800] =	vst v63  }
0x71: {  	_ =	swait.ge [sflag:s17], $0x2000  }
0x72: {  	[sflag:s17] =	ssyncset.done $0x0  }
0x73: {  	[sflag:s17] =	ssyncadd.s32 $0xFFFFE000  }
0x74: {  	_ =	swait.ge [sflag:s17], $0x1200  }
0x75: {  	[sflag:s17] =	ssyncset.done $0x0  }
0x76: {  	s31 =	simm.s32 $0x9700;
	[sflag:s17] =	ssyncadd.s32 $0xFFFFEE00  }
0x77: {  	v8 =	vld [tilespmem:s31+$0xC0]  }
0x78: {  	v0 =	vld [tilespmem:s31+$0xD0]  }
0x79: {  	v1 =	vld [tilespmem:s31+$0xE0]  }
0x7a: {  	v11 =	vld [tilespmem:s31+$0x80]  }
0x7b: {  	v2 =	vld [tilespmem:s31+$0x90]  }
0x7c: {  	v3 =	vld [tilespmem:s31+$0xA0]  }
0x7d: {  	v12 =	vld [tilespmem:s31+$0x40]  }
0x7e: {  	v4 =	vld [tilespmem:s31+$0x50]  }
0x7f: {  	v5 =	vld [tilespmem:s31+$0x60]  }
0x80: {  	v13 =	vld [tilespmem:s31+$0x0]  }
0x81: {  	v6 =	vld [tilespmem:s31+$0x10]  }
0x82: {  	v7 =	vld [tilespmem:s31+$0x20]  }
0x83: {  	v14 =	vld [tilespmem:s31+$0xFFFFFFC0]  }
0x84: {  	v9 =	vld [tilespmem:s31+$0xFFFFFFD0]  }
0x85: {  	v10 =	vld [tilespmem:s31+$0xFFFFFFE0]  }
0x86: {  	v15 =	vld [tilespmem:s31+$0xFFFFFF80]  }
0x87: {  	v16 =	vld [tilespmem:s31+$0xFFFFFF00]  }
0x88: {  	v17 =	vld [tilespmem:s31+$0xFFFFFF40]  }
0x89: {  	v18 =	vld [tilespmem:s31+$0xFFFFFF90]  }
0x8a: {  	v19 =	vld [tilespmem:s31+$0xFFFFFFA0]  }
0x8b: {  	v21 =	vld [tilespmem:s31+$0xFFFFFF50]  }
0x8c: {  	v20 =	vimm.f32 $-Inf;
	v22 =	vld [tilespmem:s31+$0xFFFFFF60]  }
0x8d: {  	v23 =	vld [tilespmem:s31+$0xFFFFFF10];
	v16 =	vmax.f32 v20, v16  }
0x8e: {  	v16 =	vmax.f32 v16, v17;
	v17 =	vld [tilespmem:s31+$0xFFFFFF20]  }
0x8f: {  	v15 =	vmax.f32 v16, v15;
	v16 =	vld [tilespmem:s31+$0xFFFFFF30]  }
0x90: {  	v14 =	vmax.f32 v15, v14;
	v15 =	vld [tilespmem:s31+$0xFFFFFF70]  }
0x91: {  	v24 =	vld [tilespmem:s31+$0xFFFFFFB0];
	v13 =	vmax.f32 v14, v13  }
0x92: {  	v13 =	vmax.f32 v13, v12;
	v12 =	vld [tilespmem:s31+$0xFFFFFFF0]  }
0x93: {  	v14 =	vmax.f32 v20, v23;
	v13 =	vmax.f32 v13, v11;
	v11 =	vld [tilespmem:s31+$0x30]  }
0x94: {  	v17 =	vmax.f32 v20, v17;
	v8 =	vmax.f32 v13, v8;
	v16 =	vmax.f32 v20, v16;
	v13 =	vld [tilespmem:s31+$0x70]  }
0x95: {  	v20 =	vmax.f32 v14, v21;
	v63 =	vmax.f32 v17, v22;
	v14 =	vld [tilespmem:s31+$0xB0];
	v15 =	vmax.f32 v16, v15  }
0x96: {  	s22 =	simm.s32 $0x0;
	s23 =	simm.s32 $0x9900;
	v17 =	vmax.f32 v20, v18;
	v18 =	vmax.f32 v63, v19;
	v16 =	vmax.f32 v15, v24;
	v15 =	vld [tilespmem:s31+$0xF0]  }
.LBB2_5:
0x97: {  	v19 =	vld [tilespmem:s23+$0xC0];
	v9 =	vmax.f32 v17, v9;
	v10 =	vmax.f32 v18, v10;
	v12 =	vmax.f32 v16, v12  }
0x98: {  	v16 =	vld [tilespmem:s23+$0xD0];
	v6 =	vmax.f32 v9, v6;
	v7 =	vmax.f32 v10, v7;
	v9 =	vmax.f32 v12, v11  }
0x99: {  	v10 =	vld [tilespmem:s23+$0xE0];
	v4 =	vmax.f32 v6, v4;
	v5 =	vmax.f32 v7, v5;
	v6 =	vmax.f32 v9, v13  }
0x9a: {  	v11 =	vld [tilespmem:s23+$0x80];
	v4 =	vmax.f32 v4, v2;
	v3 =	vmax.f32 v5, v3;
	v5 =	vmax.f32 v6, v14  }
0x9b: {  	v2 =	vld [tilespmem:s23+$0x90];
	v13 =	vmax.f32 v4, v0;
	v14 =	vmax.f32 v3, v1;
	v15 =	vmax.f32 v5, v15  }
0x9c: {  	v3 =	vld [tilespmem:s23+$0xA0]  }
0x9d: {  	v12 =	vld [tilespmem:s23+$0x40];
	v0 =	vmov v16  }
0x9e: {  	v4 =	vld [tilespmem:s23+$0x50];
	v1 =	vmov v10  }
0x9f: {  	v5 =	vld [tilespmem:s23+$0x60]  }
0xa0: {  	v16 =	vld [tilespmem:s23+$0x0]  }
0xa1: {  	v6 =	vld [tilespmem:s23+$0x10]  }
0xa2: {  	v7 =	vld [tilespmem:s23+$0x20]  }
0xa3: {  	v17 =	vld [tilespmem:s23+$0xFFFFFFC0]  }
0xa4: {  	v9 =	vld [tilespmem:s23+$0xFFFFFFD0]  }
0xa5: {  	v10 =	vld [tilespmem:s23+$0xFFFFFFE0]  }
0xa6: {  	v18 =	vld [tilespmem:s23+$0xFFFFFF80]  }
0xa7: {  	v20 =	vld [tilespmem:s23+$0xFFFFFF00]  }
0xa8: {  	v21 =	vld [tilespmem:s23+$0xFFFFFF40]  }
0xa9: {  	v22 =	vld [tilespmem:s23+$0xFFFFFF90]  }
0xaa: {  	v23 =	vld [tilespmem:s23+$0xFFFFFFA0]  }
0xab: {  	v24 =	vld [tilespmem:s23+$0xFFFFFF50]  }
0xac: {  	v8 =	vmax.f32 v8, v20;
	v20 =	vld [tilespmem:s23+$0xFFFFFF60]  }
0xad: {  	v25 =	vld [tilespmem:s23+$0xFFFFFF10];
	v8 =	vmax.f32 v8, v21  }
0xae: {  	v21 =	vld [tilespmem:s23+$0xFFFFFF20];
	v8 =	vmax.f32 v8, v18  }
0xaf: {  	s22 =	sadd.s32 $0x8, s22;
	v18 =	vld [tilespmem:s23+$0xFFFFFF30];
	v8 =	vmax.f32 v8, v17  }
0xb0: {  	p1 =	slt.u32 s22, $0xC0;
	v17 =	vld [tilespmem:s23+$0xFFFFFF70];
	v8 =	vmax.f32 v8, v16  }
0xb1: {  	v16 =	vld [tilespmem:s23+$0xFFFFFFB0];
	v8 =	vmax.f32 v8, v12  }
.Ltmp3:
0xb2: {  	v12 =	vld [tilespmem:s23+$0xFFFFFFF0];
	v8 =	vmax.f32 v8, v11;
	(pc) =	sbr.rel @p1 .LBB2_5-.Ltmp3, $4  }
0xb3: {  	v11 =	vld [tilespmem:s23+$0x30];
	v8 =	vmax.f32 v8, v19  }
0xb4: {  	v19 =	vmax.f32 v13, v25;
	v14 =	vmax.f32 v14, v21;
	v15 =	vmax.f32 v15, v18;
	v13 =	vld [tilespmem:s23+$0x70]  }
0xb5: {  	v18 =	vmax.f32 v19, v24;
	v19 =	vmax.f32 v14, v20;
	v15 =	vmax.f32 v15, v17;
	v14 =	vld [tilespmem:s23+$0xB0]  }
0xb6: {  	v17 =	vmax.f32 v18, v22;
	v18 =	vmax.f32 v19, v23;
	v16 =	vmax.f32 v15, v16;
	v15 =	vld [tilespmem:s23+$0xF0];
	s23 =	sadd.s32 $0x200, s23  }
0xb7: {  	v9 =	vmax.f32 v17, v9  }
0xb8: {  	v10 =	vmax.f32 v18, v10;
	v6 =	vmax.f32 v9, v6  }
0xb9: {  	v59 =	vmax.f32 v16, v12;
	v7 =	vmax.f32 v10, v7;
	v4 =	vmax.f32 v6, v4  }
.Ltmp4:
0xba: {  	v60 =	vmax.f32 v59, v11;
	v5 =	vmax.f32 v7, v5;
	v2 =	vmax.f32 v4, v2;
	(pc) =	sbr.rel @p0 .LBB2_8-.Ltmp4, $4  }
0xbb: {  	[tilespmem:s21+$0xC840] =	vst v8;
	v61 =	vmax.f32 v60, v13;
	v3 =	vmax.f32 v5, v3;
	v0 =	vmax.f32 v2, v0  }
0xbc: {  	v62 =	vmax.f32 v61, v14;
	v1 =	vmax.f32 v3, v1;
	[tilespmem:s21+$0xC850] =	vst v0  }
0xbd: {  	v63 =	vmax.f32 v62, v15;
	[tilespmem:s21+$0xC860] =	vst v1  }
0xbe: {  	[tilespmem:s21+$0xC870] =	vst v63  }
0xbf: {  	s21 =	smul.u32 $0x640, s20;
	_ =	sdelay $0x1  }
.Ltmp5:
0xc0: {  	s21 =	sshra.s32 s21, $0x2;
	(pc) =	sbr.rel .LBB2_2-.Ltmp5, $4  }
0xc1: {  	s22 =	sadd.s32 $0x258, s21  }
0xc2: {  	[tilespmem:s13], [sflag:$0x2] =	stream.indirect.gather [hbm4b:s3+s8], $0x40, s22, s8, $0xb8;
	[tilespmem:$0xE800] =	vst v63  }
0xc3: {  	s20 =	sadd.s32 $0x1, s20;
	s21 =	sadd.s32 $0x2D8, s21  }
0xc4: {  	[tilespmem:s15], [sflag:$0x2] =	stream.indirect.gather [hbm4b:s3+s10], $0x40, s21, s10, $0xb8;
	[tilespmem:$0xE800] =	vst v63  }
.LBB2_9:
0xc5: {  	_ =	sfence.sel $0x180000  }
0xc6: {  	[bflag:$0x0] =	sbarrier.arrive $0xFFFF  }
0xc7: {  	p0 =	sne.s32 s0, $0x0;
	_ =	strace $0x90000047  }
0xc8: {  	s0 =	sadd.s32 @!p0 $0x100000, s1;
	[bflag:$0x2] =	sbarrier.arrive $0xFFFF  }
0xc9: {  	[sflag:s0] =	ssyncadd.tile.s32 @!p0 $0x1;
	_ =	shalt  }
.Lfunc_end2:
_tile_overlayer_lowered:
.L_overlay_start_2:
0xca: {  	(tag) =	ssettag $0x2  }
0xcb: {  	s0 =	rddreg [dreg:$0x0];
	s2 =	stileid.u32  }
0xcc: {  	s1 =	rddreg [dreg:$0x1];
	p0 =	sne.s32 s2, $0x0  }
0xcd: {  	s3 =	rddreg [dreg:$0x2];
	[bflag:$0x3] =	sbarrier.arrive $0xFFFF;
	s2 =	simm.s32 @!p0 $0x1C03  }
0xce: {  	[timem:s3], [sflag:s2] =	dma.local @!p0 [hbm:s0], s1  }
0xcf: {  	s0 =	simm.s32 @!p0 $0x3  }
0xd0: {  	_ =	swait.ge @!p0 [sflag:s0], s1  }
0xd1: {  	s1 =	ssub.s32 @!p0 $0x0, s1;
	[sflag:s0] =	ssyncset.done @!p0 $0x0  }
0xd2: {  	[sflag:s0] =	ssyncadd.s32 @!p0 s1  }
0xd3: {  	[bflag:$0x3] =	sbarrier.arrive $0xFFFF  }
0xd4: {  	_ =	shalt  }

</sc_bundles>
